<compile_context>
chip_gen: v7x
topology: tpu7x:2x2x1
jax: 0.10.2.dev20260603
libtpu: 0.0.44.dev20260713+nightly
codegen_flags: <defaults>
</compile_context>

<pallas_src>
import functools

import jax
import jax.numpy as jnp
from jax import lax
from jax.experimental import pallas as pl
from jax.experimental.pallas import tpu as pltpu
from jax.experimental.pallas import tpu_sc as plsc

_N = 10000
_E = 320000
_D = 128
_NC = 2
_NS = 16
_NW = _NC * _NS
_CHUNK = 128
_EPW = 10112
_NCHUNK = _EPW // _CHUNK
_EPAD = _EPW * _NW
_NACC = 10240
_RPT = _NACC // _NS

_VMESH = plsc.VectorSubcoreMesh(core_axis_name="c", subcore_axis_name="s")


@functools.partial(
    pl.kernel, mesh=_VMESH,
    out_type=jax.ShapeDtypeStruct((_NC, _NACC, _D), jnp.float32),
    scratch_types=[
        pltpu.VMEM((_CHUNK,), jnp.int32),
        pltpu.VMEM((_CHUNK,), jnp.int32),
        pltpu.VMEM((_CHUNK, _D), jnp.float32),
        pltpu.VMEM_SHARED((_NACC, _D), jnp.float32),
        pltpu.SemaphoreType.DMA,
    ])
def _sc_segsum(g_h, src_h, dst_h, zeros_h, p_h, idx_s, idx_d, rows_v, acc, sem):
    c = lax.axis_index("c")
    s = lax.axis_index("s")
    wid = c * _NS + s
    r0 = s * _RPT
    pltpu.sync_copy(zeros_h.at[pl.ds(r0, _RPT)], acc.at[pl.ds(r0, _RPT)])
    plsc.subcore_barrier()

    base0 = wid * _EPW

    @pl.loop(0, _NCHUNK)
    def _(j):
        base = base0 + j * _CHUNK
        pltpu.sync_copy(src_h.at[pl.ds(base, _CHUNK)], idx_s)
        pltpu.sync_copy(dst_h.at[pl.ds(base, _CHUNK)], idx_d)
        pltpu.async_copy(g_h.at[idx_s], rows_v, sem).wait()
        pltpu.sync_copy(rows_v, acc.at[idx_d], add=True)

    plsc.subcore_barrier()
    pltpu.sync_copy(acc.at[pl.ds(r0, _RPT)], p_h.at[c, pl.ds(r0, _RPT)])


@functools.partial(
    pl.kernel, mesh=_VMESH,
    out_type=jax.ShapeDtypeStruct((_NC, _NACC, _D), jnp.float32),
    scratch_types=[
        pltpu.VMEM((_CHUNK,), jnp.int32),
        pltpu.VMEM((_CHUNK, _D), jnp.float32),
        pltpu.VMEM_SHARED((_NACC, _D), jnp.float32),
        pltpu.SemaphoreType.DMA,
    ])
def _sc_degree(dst_h, zeros_h, ones_h, dp_h, idx_d, ones_v, acc, sem):
    c = lax.axis_index("c")
    s = lax.axis_index("s")
    wid = c * _NS + s
    r0 = s * _RPT
    pltpu.sync_copy(zeros_h.at[pl.ds(r0, _RPT)], acc.at[pl.ds(r0, _RPT)])
    pltpu.sync_copy(ones_h, ones_v)
    plsc.subcore_barrier()

    base0 = wid * _EPW

    @pl.loop(0, _NCHUNK)
    def _(j):
        base = base0 + j * _CHUNK
        pltpu.sync_copy(dst_h.at[pl.ds(base, _CHUNK)], idx_d)
        pltpu.sync_copy(ones_v, acc.at[idx_d], add=True)

    plsc.subcore_barrier()
    pltpu.sync_copy(acc.at[pl.ds(r0, _RPT)], dp_h.at[c, pl.ds(r0, _RPT)])


_BLK = 1000
_GRID = _N // _BLK


def _tc_matmul(x, w):
    dout = w.shape[1]

    def body(x_ref, w_ref, o_ref):
        o_ref[...] = jnp.dot(x_ref[...], w_ref[...],
                             preferred_element_type=jnp.float32)

    return pl.pallas_call(
        body,
        grid=(_GRID,),
        in_specs=[
            pl.BlockSpec((_BLK, x.shape[1]), lambda i: (i, 0)),
            pl.BlockSpec((x.shape[1], dout), lambda i: (0, 0)),
        ],
        out_specs=pl.BlockSpec((_BLK, dout), lambda i: (i, 0)),
        out_shape=jax.ShapeDtypeStruct((_N, dout), jnp.float32),
    )(x, w)


def _tc_combine(h, p, degp, wself, b, relu, wneigh_next=None, wneigh_s=None):
    dout = wself.shape[1]
    b2 = b.reshape(1, dout)

    def body(h_ref, p0_ref, p1_ref, d0_ref, d1_ref, ws_ref, b_ref, *rest):
        rest = list(rest)
        wns_ref = rest.pop(0) if wneigh_s is not None else None
        wn_ref = rest.pop(0) if wneigh_next is not None else None
        o_ref = rest.pop(0)
        g_ref = rest.pop(0) if wneigh_next is not None else None
        deg = d0_ref[0, :, 0:1] + d1_ref[0, :, 0:1]
        rdeg = 1.0 / jnp.maximum(deg, 1.0)
        mean = (p0_ref[0] + p1_ref[0]) * rdeg
        if wns_ref is not None:
            mean = jnp.dot(mean, wns_ref[...],
                           preferred_element_type=jnp.float32)
        z = jnp.dot(h_ref[...], ws_ref[...],
                    preferred_element_type=jnp.float32) + mean + b_ref[...]
        if relu:
            z = jnp.maximum(z, 0.0)
        o_ref[...] = z
        if g_ref is not None:
            g_ref[...] = jnp.dot(z, wn_ref[...],
                                 preferred_element_type=jnp.float32)

    in_specs = [
        pl.BlockSpec((_BLK, h.shape[1]), lambda i: (i, 0)),
        pl.BlockSpec((1, _BLK, _D), lambda i: (0, i, 0)),
        pl.BlockSpec((1, _BLK, _D), lambda i: (1, i, 0)),
        pl.BlockSpec((1, _BLK, _D), lambda i: (0, i, 0)),
        pl.BlockSpec((1, _BLK, _D), lambda i: (1, i, 0)),
        pl.BlockSpec((h.shape[1], dout), lambda i: (0, 0)),
        pl.BlockSpec((1, dout), lambda i: (0, 0)),
    ]
    args = [h, p, p, degp, degp, wself, b2]
    if wneigh_s is not None:
        in_specs.append(pl.BlockSpec(wneigh_s.shape, lambda i: (0, 0)))
        args.append(wneigh_s)
    out_shapes = [jax.ShapeDtypeStruct((_N, dout), jnp.float32)]
    out_specs = [pl.BlockSpec((_BLK, dout), lambda i: (i, 0))]
    if wneigh_next is not None:
        dnext = wneigh_next.shape[1]
        in_specs.append(pl.BlockSpec((dout, dnext), lambda i: (0, 0)))
        args.append(wneigh_next)
        out_shapes.append(jax.ShapeDtypeStruct((_N, dnext), jnp.float32))
        out_specs.append(pl.BlockSpec((_BLK, dnext), lambda i: (i, 0)))

    return pl.pallas_call(
        body,
        grid=(_GRID,),
        in_specs=in_specs,
        out_specs=out_specs,
        out_shape=out_shapes,
    )(*args)


def kernel(x, edge_index, Wself0, Wneigh0, b0, Wself1, Wneigh1, b1,
           Wself2, Wneigh2, b2):
    src = edge_index[0]
    dst = edge_index[1]
    npad = _EPAD - _E
    src_p = jnp.concatenate([src, jnp.zeros((npad,), jnp.int32)])
    dst_p = jnp.concatenate([dst, jnp.full((npad,), _N, jnp.int32)])
    zeros = jnp.zeros((_NACC, _D), jnp.float32)
    ones_rows = jnp.ones((_CHUNK, _D), jnp.float32)

    degp = _sc_degree(dst_p, zeros, ones_rows)

    g0 = _tc_matmul(x, Wneigh0)
    p0 = _sc_segsum(g0, src_p, dst_p, zeros)
    h1, g1 = _tc_combine(x, p0, degp, Wself0, b0, True, wneigh_next=Wneigh1)

    p1 = _sc_segsum(g1, src_p, dst_p, zeros)
    (h2,) = _tc_combine(h1, p1, degp, Wself1, b1, True)

    p2 = _sc_segsum(h2, src_p, dst_p, zeros)
    out = _tc_combine(h2, p2, degp, Wself2, b2, False, wneigh_s=Wneigh2)
    return out[0]

# --- scband reference (transcript-rebuilt; emitter-appended) ---
"""Pipeline reference for scband-graph-sage-32341103739246 (READ-ONLY COPY).

The authoritative reference and input builder live on the scoring server;
editing this copy changes nothing except your own understanding.
"""

import jax, jax.numpy as jnp
import numpy as np

N = 10000
E = 320000
D_IN = 128
D_H = 128
D_OUT = 16


def _sage_layer(h, src, dst, Wself, Wneigh, b):
    # DGL SAGEConv with 'mean' aggregator: out = fc_self(h) + fc_neigh(mean_{u in N(v)} h_u) + b
    msgs = h[src]  # gather along edges
    agg = jax.ops.segment_sum(msgs, dst, num_segments=N)
    deg = jax.ops.segment_sum(jnp.ones((src.shape[0],), h.dtype), dst, num_segments=N)
    mean_neigh = agg / jnp.maximum(deg, 1.0)[:, None]
    return h @ Wself + mean_neigh @ Wneigh + b


def setup_inputs(seed: int = 0) -> dict:
    key = jax.random.key(seed)
    ks = jax.random.split(key, 12)
    x = jax.random.normal(ks[0], (N, D_IN), dtype=jnp.float32)
    edge_index = jax.random.randint(ks[1], (2, E), 0, N, dtype=jnp.int32)
    dims = [(D_IN, D_H), (D_H, D_H), (D_H, D_OUT)]
    inp = {"x": x, "edge_index": edge_index}
    for l, (din, dout) in enumerate(dims):
        inp[f"Wself{l}"] = jax.random.normal(ks[2 + 3 * l], (din, dout), dtype=jnp.float32) * (1.0 / np.sqrt(din))
        inp[f"Wneigh{l}"] = jax.random.normal(ks[3 + 3 * l], (din, dout), dtype=jnp.float32) * (1.0 / np.sqrt(din))
        inp[f"b{l}"] = jnp.zeros((dout,), dtype=jnp.float32)
    return inp


def reference(x, edge_index, Wself0, Wneigh0, b0, Wself1, Wneigh1, b1, Wself2, Wneigh2, b2):
    src = edge_index[0]
    dst = edge_index[1]
    # dropout p=0.0 -> identity (eval-equivalent)
    h = x
    h = _sage_layer(h, src, dst, Wself0, Wneigh0, b0)
    h = jax.nn.relu(h)
    h = _sage_layer(h, src, dst, Wself1, Wneigh1, b1)
    h = jax.nn.relu(h)
    h = _sage_layer(h, src, dst, Wself2, Wneigh2, b2)
    return h

if __name__ == "__main__":
    import jax
    _d = setup_inputs()
    print(jax.jit(kernel)(*tuple(_d.values())))

</pallas_src>

<mosaic_0001>
#map = affine_map<(d0, d1) -> (0, 0)>
#map1 = affine_map<(d0, d1) -> (0)>
#map2 = affine_map<(d0, d1) -> (0, 0, 0)>
module attributes {stable_mosaic.version = 14 : i64} {
  func.func @_sc_segsum(%arg0: i32, %arg1: i32, %arg2: memref<10000x128xf32, #tpu.memory_space<hbm>>, %arg3: memref<323584xi32, #tpu.memory_space<hbm>>, %arg4: memref<323584xi32, #tpu.memory_space<hbm>>, %arg5: memref<10240x128xf32, #tpu.memory_space<hbm>>, %arg6: memref<2x10240x128xf32, #tpu.memory_space<hbm>>, %arg7: memref<128xi32, #tpu.memory_space<vmem>>, %arg8: memref<128xi32, #tpu.memory_space<vmem>>, %arg9: memref<128x128xf32, #tpu.memory_space<vmem>>, %arg10: memref<10240x128xf32, #tpu.memory_space<vmem_shared>>, %arg11: memref<!tpu.dma_semaphore, #tpu.memory_space<semaphore_mem>>) attributes {dimension_semantics = [#tpu.dimension_semantics<core_parallel>, #tpu.dimension_semantics<subcore_parallel>], iteration_bounds = array<i64: 2, 16>, scalar_prefetch = 0 : i64, scratch_operands = 5 : i64, tpu.core_type = #tpu.core_type<sc_vector_subcore>, window_params = [{transform_indices = #map}, {transform_indices = #map1}, {transform_indices = #map1}, {transform_indices = #map}, {transform_indices = #map2}]} {
    %mul3A = arith.constant 16 : i32
    %mul3A_0 = arith.muli %arg0, %mul3A : i32
    %add3A = arith.addi %mul3A_0, %arg1 : i32
    %mul3A_1 = arith.constant 640 : i32
    %mul3A_2 = arith.muli %arg1, %mul3A_1 : i32
    "tpu.region"() ({
      %run_scoped3A = tpu.sem_alloc : memref<!tpu.dma_semaphore, #tpu.memory_space<semaphore_mem>>
      %dma_start3A = arith.constant 0 : i32
      %dma_start3A_10 = tpu.memref_slice %arg10[%mul3A_2, %dma_start3A] : memref<10240x128xf32, #tpu.memory_space<vmem_shared>> -> memref<640x128xf32, #tpu.memory_space<vmem_shared>>
      %dma_start3A_11 = arith.constant 0 : i32
      %dma_start3A_12 = tpu.memref_slice %arg5[%mul3A_2, %dma_start3A_11] : memref<10240x128xf32, #tpu.memory_space<hbm>> -> memref<640x128xf32, #tpu.memory_space<hbm>>
      tpu.enqueue_dma source(%dma_start3A_12 : memref<640x128xf32, #tpu.memory_space<hbm>>) target(%dma_start3A_10 : memref<640x128xf32, #tpu.memory_space<vmem_shared>>) target_semaphore(%run_scoped3A : memref<!tpu.dma_semaphore, #tpu.memory_space<semaphore_mem>>)
      %dma_wait3A = arith.constant 0 : i32
      %dma_wait3A_13 = tpu.memref_slice %arg10[%mul3A_2, %dma_wait3A] : memref<10240x128xf32, #tpu.memory_space<vmem_shared>> -> memref<640x128xf32, #tpu.memory_space<vmem_shared>>
      %dma_wait3A_14 = arith.constant 0 : i32
      %dma_wait3A_15 = tpu.memref_slice %arg5[%mul3A_2, %dma_wait3A_14] : memref<10240x128xf32, #tpu.memory_space<hbm>> -> memref<640x128xf32, #tpu.memory_space<hbm>>
      tpu.wait_dma2 semaphore(%run_scoped3A : memref<!tpu.dma_semaphore, #tpu.memory_space<semaphore_mem>>) src(%dma_wait3A_15 : memref<640x128xf32, #tpu.memory_space<hbm>>) dst(%dma_wait3A_13 : memref<640x128xf32, #tpu.memory_space<vmem_shared>>)
      tpu.yield
    }) : () -> ()
    %barrier3A = arith.constant 0 : index
    tpu.barrier barrier_id(%barrier3A)
    %mul3A_3 = arith.constant 10112 : i32
    %mul3A_4 = arith.muli %add3A, %mul3A_3 : i32
    %scan3A = arith.constant 0 : i32
    %scan3A_5 = arith.constant 79 : i32
    %scan3A_6 = arith.addi %scan3A, %scan3A_5 : i32
    %scan3A_7 = arith.constant 1 : i32
    scf.for %scan3A_10 = %scan3A to %scan3A_6 step %scan3A_7  : i32 {
      %mul3A_11 = arith.constant 1 : i32
      %mul3A_12 = arith.muli %scan3A_10, %mul3A_11 : i32
      %add3A_13 = arith.constant 0 : i32
      %add3A_14 = arith.addi %add3A_13, %mul3A_12 : i32
      %mul3A_15 = arith.constant 128 : i32
      %mul3A_16 = arith.muli %add3A_14, %mul3A_15 : i32
      %add3A_17 = arith.addi %mul3A_4, %mul3A_16 : i32
      "tpu.region"() ({
        %run_scoped3A = tpu.sem_alloc : memref<!tpu.dma_semaphore, #tpu.memory_space<semaphore_mem>>
        %dma_start3A_22 = tpu.memref_slice %arg3[%add3A_17] : memref<323584xi32, #tpu.memory_space<hbm>> -> memref<128xi32, #tpu.memory_space<hbm>>
        %dma_start3A_23 = tpu.memref_slice %arg3[%add3A_17] : memref<323584xi32, #tpu.memory_space<hbm>> -> memref<128xi32, #tpu.memory_space<hbm>>
        tpu.enqueue_dma source(%dma_start3A_23 : memref<128xi32, #tpu.memory_space<hbm>>) target(%arg7 : memref<128xi32, #tpu.memory_space<vmem>>) target_semaphore(%run_scoped3A : memref<!tpu.dma_semaphore, #tpu.memory_space<semaphore_mem>>)
        %dma_wait3A_24 = tpu.memref_slice %arg3[%add3A_17] : memref<323584xi32, #tpu.memory_space<hbm>> -> memref<128xi32, #tpu.memory_space<hbm>>
        %dma_wait3A_25 = tpu.memref_slice %arg3[%add3A_17] : memref<323584xi32, #tpu.memory_space<hbm>> -> memref<128xi32, #tpu.memory_space<hbm>>
        tpu.wait_dma2 semaphore(%run_scoped3A : memref<!tpu.dma_semaphore, #tpu.memory_space<semaphore_mem>>) src(%dma_wait3A_25 : memref<128xi32, #tpu.memory_space<hbm>>) dst(%arg7 : memref<128xi32, #tpu.memory_space<vmem>>)
        tpu.yield
      }) : () -> ()
      "tpu.region"() ({
        %run_scoped3A = tpu.sem_alloc : memref<!tpu.dma_semaphore, #tpu.memory_space<semaphore_mem>>
        %dma_start3A_22 = tpu.memref_slice %arg4[%add3A_17] : memref<323584xi32, #tpu.memory_space<hbm>> -> memref<128xi32, #tpu.memory_space<hbm>>
        %dma_start3A_23 = tpu.memref_slice %arg4[%add3A_17] : memref<323584xi32, #tpu.memory_space<hbm>> -> memref<128xi32, #tpu.memory_space<hbm>>
        tpu.enqueue_dma source(%dma_start3A_23 : memref<128xi32, #tpu.memory_space<hbm>>) target(%arg8 : memref<128xi32, #tpu.memory_space<vmem>>) target_semaphore(%run_scoped3A : memref<!tpu.dma_semaphore, #tpu.memory_space<semaphore_mem>>)
        %dma_wait3A_24 = tpu.memref_slice %arg4[%add3A_17] : memref<323584xi32, #tpu.memory_space<hbm>> -> memref<128xi32, #tpu.memory_space<hbm>>
        %dma_wait3A_25 = tpu.memref_slice %arg4[%add3A_17] : memref<323584xi32, #tpu.memory_space<hbm>> -> memref<128xi32, #tpu.memory_space<hbm>>
        tpu.wait_dma2 semaphore(%run_scoped3A : memref<!tpu.dma_semaphore, #tpu.memory_space<semaphore_mem>>) src(%dma_wait3A_25 : memref<128xi32, #tpu.memory_space<hbm>>) dst(%arg8 : memref<128xi32, #tpu.memory_space<vmem>>)
        tpu.yield
      }) : () -> ()
      %dma_start3A = arith.constant 0 : i32
      %dma_start3A_18 = arith.constant 0 : i32
      %dma_start3A_19 = tpu.memref_slice %arg2[%dma_start3A, %dma_start3A_18] : memref<10000x128xf32, #tpu.memory_space<hbm>> -> memref<10000x128xf32, #tpu.memory_space<hbm>>
      tpu.enqueue_indirect_dma source(%dma_start3A_19 : memref<10000x128xf32, #tpu.memory_space<hbm>>) target(%arg9 : memref<128x128xf32, #tpu.memory_space<vmem>>) offsets(%arg7 : memref<128xi32, #tpu.memory_space<vmem>>) semaphore(%arg11 : memref<!tpu.dma_semaphore, #tpu.memory_space<semaphore_mem>>)
      %dma_wait3A = arith.constant 0 : i32
      %dma_wait3A_20 = arith.constant 0 : i32
      %dma_wait3A_21 = tpu.memref_slice %arg2[%dma_wait3A, %dma_wait3A_20] : memref<10000x128xf32, #tpu.memory_space<hbm>> -> memref<10000x128xf32, #tpu.memory_space<hbm>>
      tpu.wait_indirect_dma semaphore(%arg11 : memref<!tpu.dma_semaphore, #tpu.memory_space<semaphore_mem>>) src(%dma_wait3A_21 : memref<10000x128xf32, #tpu.memory_space<hbm>>) dst(%arg9 : memref<128x128xf32, #tpu.memory_space<vmem>>)
      "tpu.region"() ({
        %run_scoped3A = tpu.sem_alloc : memref<!tpu.dma_semaphore, #tpu.memory_space<semaphore_mem>>
        %dma_start3A_22 = arith.constant 0 : i32
        %dma_start3A_23 = arith.constant 0 : i32
        %dma_start3A_24 = tpu.memref_slice %arg10[%dma_start3A_22, %dma_start3A_23] : memref<10240x128xf32, #tpu.memory_space<vmem_shared>> -> memref<10240x128xf32, #tpu.memory_space<vmem_shared>>
        tpu.enqueue_indirect_dma source(%arg9 : memref<128x128xf32, #tpu.memory_space<vmem>>) target(%dma_start3A_24 : memref<10240x128xf32, #tpu.memory_space<vmem_shared>>) offsets(%arg8 : memref<128xi32, #tpu.memory_space<vmem>>) semaphore(%run_scoped3A : memref<!tpu.dma_semaphore, #tpu.memory_space<semaphore_mem>>) {add = true}
        %dma_wait3A_25 = arith.constant 0 : i32
        %dma_wait3A_26 = arith.constant 0 : i32
        %dma_wait3A_27 = tpu.memref_slice %arg10[%dma_wait3A_25, %dma_wait3A_26] : memref<10240x128xf32, #tpu.memory_space<vmem_shared>> -> memref<10240x128xf32, #tpu.memory_space<vmem_shared>>
        tpu.wait_indirect_dma semaphore(%run_scoped3A : memref<!tpu.dma_semaphore, #tpu.memory_space<semaphore_mem>>) src(%arg9 : memref<128x128xf32, #tpu.memory_space<vmem>>) dst(%dma_wait3A_27 : memref<10240x128xf32, #tpu.memory_space<vmem_shared>>)
        tpu.yield
      }) : () -> ()
    }
    %scan3A_8 = arith.constant 79 : i32
    %barrier3A_9 = arith.constant 0 : index
    tpu.barrier barrier_id(%barrier3A_9)
    "tpu.region"() ({
      %run_scoped3A = tpu.sem_alloc : memref<!tpu.dma_semaphore, #tpu.memory_space<semaphore_mem>>
      %dma_start3A = arith.constant 0 : i32
      %dma_start3A_10 = tpu.memref_slice %arg6[%arg0, %mul3A_2, %dma_start3A] : memref<2x10240x128xf32, #tpu.memory_space<hbm>> -> memref<1x640x128xf32, #tpu.memory_space<hbm>>
      %dma_start3A_11 = tpu.memref_squeeze %dma_start3A_10 : memref<1x640x128xf32, #tpu.memory_space<hbm>> -> memref<640x128xf32, #tpu.memory_space<hbm>>
      %dma_start3A_12 = arith.constant 0 : i32
      %dma_start3A_13 = tpu.memref_slice %arg10[%mul3A_2, %dma_start3A_12] : memref<10240x128xf32, #tpu.memory_space<vmem_shared>> -> memref<640x128xf32, #tpu.memory_space<vmem_shared>>
      tpu.enqueue_dma source(%dma_start3A_13 : memref<640x128xf32, #tpu.memory_space<vmem_shared>>) target(%dma_start3A_11 : memref<640x128xf32, #tpu.memory_space<hbm>>) target_semaphore(%run_scoped3A : memref<!tpu.dma_semaphore, #tpu.memory_space<semaphore_mem>>)
      %dma_wait3A = arith.constant 0 : i32
      %dma_wait3A_14 = tpu.memref_slice %arg6[%arg0, %mul3A_2, %dma_wait3A] : memref<2x10240x128xf32, #tpu.memory_space<hbm>> -> memref<1x640x128xf32, #tpu.memory_space<hbm>>
      %dma_wait3A_15 = tpu.memref_squeeze %dma_wait3A_14 : memref<1x640x128xf32, #tpu.memory_space<hbm>> -> memref<640x128xf32, #tpu.memory_space<hbm>>
      %dma_wait3A_16 = arith.constant 0 : i32
      %dma_wait3A_17 = tpu.memref_slice %arg10[%mul3A_2, %dma_wait3A_16] : memref<10240x128xf32, #tpu.memory_space<vmem_shared>> -> memref<640x128xf32, #tpu.memory_space<vmem_shared>>
      tpu.wait_dma2 semaphore(%run_scoped3A : memref<!tpu.dma_semaphore, #tpu.memory_space<semaphore_mem>>) src(%dma_wait3A_17 : memref<640x128xf32, #tpu.memory_space<vmem_shared>>) dst(%dma_wait3A_15 : memref<640x128xf32, #tpu.memory_space<hbm>>)
      tpu.yield
    }) : () -> ()
    return
  }
}

#map = affine_map<(d0, d1) -> (0, 0)>
#map1 = affine_map<(d0, d1) -> (0)>
#map2 = affine_map<(d0, d1) -> (0, 0, 0)>
module attributes {stable_mosaic.version = 14 : i64} {
  func.func @_sc_segsum(%arg0: i32, %arg1: i32, %arg2: memref<10000x128xf32, #tpu.memory_space<hbm>>, %arg3: memref<323584xi32, #tpu.memory_space<hbm>>, %arg4: memref<323584xi32, #tpu.memory_space<hbm>>, %arg5: memref<10240x128xf32, #tpu.memory_space<hbm>>, %arg6: memref<2x10240x128xf32, #tpu.memory_space<hbm>>, %arg7: memref<128xi32, #tpu.memory_space<vmem>>, %arg8: memref<128xi32, #tpu.memory_space<vmem>>, %arg9: memref<128x128xf32, #tpu.memory_space<vmem>>, %arg10: memref<10240x128xf32, #tpu.memory_space<vmem_shared>>, %arg11: memref<!tpu.dma_semaphore, #tpu.memory_space<semaphore_mem>>) attributes {dimension_semantics = [#tpu.dimension_semantics<core_parallel>, #tpu.dimension_semantics<subcore_parallel>], iteration_bounds = array<i64: 2, 16>, scalar_prefetch = 0 : i64, scratch_operands = 5 : i64, tpu.core_type = #tpu.core_type<sc_vector_subcore>, window_params = [{transform_indices = #map}, {transform_indices = #map1}, {transform_indices = #map1}, {transform_indices = #map}, {transform_indices = #map2}]} {
    %mul3A = arith.constant 16 : i32
    %mul3A_0 = arith.muli %arg0, %mul3A : i32
    %add3A = arith.addi %mul3A_0, %arg1 : i32
    %mul3A_1 = arith.constant 640 : i32
    %mul3A_2 = arith.muli %arg1, %mul3A_1 : i32
    "tpu.region"() ({
      %run_scoped3A = tpu.sem_alloc : memref<!tpu.dma_semaphore, #tpu.memory_space<semaphore_mem>>
      %dma_start3A = arith.constant 0 : i32
      %dma_start3A_10 = tpu.memref_slice %arg10[%mul3A_2, %dma_start3A] : memref<10240x128xf32, #tpu.memory_space<vmem_shared>> -> memref<640x128xf32, #tpu.memory_space<vmem_shared>>
      %dma_start3A_11 = arith.constant 0 : i32
      %dma_start3A_12 = tpu.memref_slice %arg5[%mul3A_2, %dma_start3A_11] : memref<10240x128xf32, #tpu.memory_space<hbm>> -> memref<640x128xf32, #tpu.memory_space<hbm>>
      tpu.enqueue_dma source(%dma_start3A_12 : memref<640x128xf32, #tpu.memory_space<hbm>>) target(%dma_start3A_10 : memref<640x128xf32, #tpu.memory_space<vmem_shared>>) target_semaphore(%run_scoped3A : memref<!tpu.dma_semaphore, #tpu.memory_space<semaphore_mem>>)
      %dma_wait3A = arith.constant 0 : i32
      %dma_wait3A_13 = tpu.memref_slice %arg10[%mul3A_2, %dma_wait3A] : memref<10240x128xf32, #tpu.memory_space<vmem_shared>> -> memref<640x128xf32, #tpu.memory_space<vmem_shared>>
      %dma_wait3A_14 = arith.constant 0 : i32
      %dma_wait3A_15 = tpu.memref_slice %arg5[%mul3A_2, %dma_wait3A_14] : memref<10240x128xf32, #tpu.memory_space<hbm>> -> memref<640x128xf32, #tpu.memory_space<hbm>>
      tpu.wait_dma2 semaphore(%run_scoped3A : memref<!tpu.dma_semaphore, #tpu.memory_space<semaphore_mem>>) src(%dma_wait3A_15 : memref<640x128xf32, #tpu.memory_space<hbm>>) dst(%dma_wait3A_13 : memref<640x128xf32, #tpu.memory_space<vmem_shared>>)
      tpu.yield
    }) : () -> ()
    %barrier3A = arith.constant 0 : index
    tpu.barrier barrier_id(%barrier3A)
    %mul3A_3 = arith.constant 10112 : i32
    %mul3A_4 = arith.muli %add3A, %mul3A_3 : i32
    %scan3A = arith.constant 0 : i32
    %scan3A_5 = arith.constant 79 : i32
    %scan3A_6 = arith.addi %scan3A, %scan3A_5 : i32
    %scan3A_7 = arith.constant 1 : i32
    scf.for %scan3A_10 = %scan3A to %scan3A_6 step %scan3A_7  : i32 {
      %mul3A_11 = arith.constant 1 : i32
      %mul3A_12 = arith.muli %scan3A_10, %mul3A_11 : i32
      %add3A_13 = arith.constant 0 : i32
      %add3A_14 = arith.addi %add3A_13, %mul3A_12 : i32
      %mul3A_15 = arith.constant 128 : i32
      %mul3A_16 = arith.muli %add3A_14, %mul3A_15 : i32
      %add3A_17 = arith.addi %mul3A_4, %mul3A_16 : i32
      "tpu.region"() ({
        %run_scoped3A = tpu.sem_alloc : memref<!tpu.dma_semaphore, #tpu.memory_space<semaphore_mem>>
        %dma_start3A_22 = tpu.memref_slice %arg3[%add3A_17] : memref<323584xi32, #tpu.memory_space<hbm>> -> memref<128xi32, #tpu.memory_space<hbm>>
        %dma_start3A_23 = tpu.memref_slice %arg3[%add3A_17] : memref<323584xi32, #tpu.memory_space<hbm>> -> memref<128xi32, #tpu.memory_space<hbm>>
        tpu.enqueue_dma source(%dma_start3A_23 : memref<128xi32, #tpu.memory_space<hbm>>) target(%arg7 : memref<128xi32, #tpu.memory_space<vmem>>) target_semaphore(%run_scoped3A : memref<!tpu.dma_semaphore, #tpu.memory_space<semaphore_mem>>)
        %dma_wait3A_24 = tpu.memref_slice %arg3[%add3A_17] : memref<323584xi32, #tpu.memory_space<hbm>> -> memref<128xi32, #tpu.memory_space<hbm>>
        %dma_wait3A_25 = tpu.memref_slice %arg3[%add3A_17] : memref<323584xi32, #tpu.memory_space<hbm>> -> memref<128xi32, #tpu.memory_space<hbm>>
        tpu.wait_dma2 semaphore(%run_scoped3A : memref<!tpu.dma_semaphore, #tpu.memory_space<semaphore_mem>>) src(%dma_wait3A_25 : memref<128xi32, #tpu.memory_space<hbm>>) dst(%arg7 : memref<128xi32, #tpu.memory_space<vmem>>)
        tpu.yield
      }) : () -> ()
      "tpu.region"() ({
        %run_scoped3A = tpu.sem_alloc : memref<!tpu.dma_semaphore, #tpu.memory_space<semaphore_mem>>
        %dma_start3A_22 = tpu.memref_slice %arg4[%add3A_17] : memref<323584xi32, #tpu.memory_space<hbm>> -> memref<128xi32, #tpu.memory_space<hbm>>
        %dma_start3A_23 = tpu.memref_slice %arg4[%add3A_17] : memref<323584xi32, #tpu.memory_space<hbm>> -> memref<128xi32, #tpu.memory_space<hbm>>
        tpu.enqueue_dma source(%dma_start3A_23 : memref<128xi32, #tpu.memory_space<hbm>>) target(%arg8 : memref<128xi32, #tpu.memory_space<vmem>>) target_semaphore(%run_scoped3A : memref<!tpu.dma_semaphore, #tpu.memory_space<semaphore_mem>>)
        %dma_wait3A_24 = tpu.memref_slice %arg4[%add3A_17] : memref<323584xi32, #tpu.memory_space<hbm>> -> memref<128xi32, #tpu.memory_space<hbm>>
        %dma_wait3A_25 = tpu.memref_slice %arg4[%add3A_17] : memref<323584xi32, #tpu.memory_space<hbm>> -> memref<128xi32, #tpu.memory_space<hbm>>
        tpu.wait_dma2 semaphore(%run_scoped3A : memref<!tpu.dma_semaphore, #tpu.memory_space<semaphore_mem>>) src(%dma_wait3A_25 : memref<128xi32, #tpu.memory_space<hbm>>) dst(%arg8 : memref<128xi32, #tpu.memory_space<vmem>>)
        tpu.yield
      }) : () -> ()
      %dma_start3A = arith.constant 0 : i32
      %dma_start3A_18 = arith.constant 0 : i32
      %dma_start3A_19 = tpu.memref_slice %arg2[%dma_start3A, %dma_start3A_18] : memref<10000x128xf32, #tpu.memory_space<hbm>> -> memref<10000x128xf32, #tpu.memory_space<hbm>>
      tpu.enqueue_indirect_dma source(%dma_start3A_19 : memref<10000x128xf32, #tpu.memory_space<hbm>>) target(%arg9 : memref<128x128xf32, #tpu.memory_space<vmem>>) offsets(%arg7 : memref<128xi32, #tpu.memory_space<vmem>>) semaphore(%arg11 : memref<!tpu.dma_semaphore, #tpu.memory_space<semaphore_mem>>)
      %dma_wait3A = arith.constant 0 : i32
      %dma_wait3A_20 = arith.constant 0 : i32
      %dma_wait3A_21 = tpu.memref_slice %arg2[%dma_wait3A, %dma_wait3A_20] : memref<10000x128xf32, #tpu.memory_space<hbm>> -> memref<10000x128xf32, #tpu.memory_space<hbm>>
      tpu.wait_indirect_dma semaphore(%arg11 : memref<!tpu.dma_semaphore, #tpu.memory_space<semaphore_mem>>) src(%dma_wait3A_21 : memref<10000x128xf32, #tpu.memory_space<hbm>>) dst(%arg9 : memref<128x128xf32, #tpu.memory_space<vmem>>)
      "tpu.region"() ({
        %run_scoped3A = tpu.sem_alloc : memref<!tpu.dma_semaphore, #tpu.memory_space<semaphore_mem>>
        %dma_start3A_22 = arith.constant 0 : i32
        %dma_start3A_23 = arith.constant 0 : i32
        %dma_start3A_24 = tpu.memref_slice %arg10[%dma_start3A_22, %dma_start3A_23] : memref<10240x128xf32, #tpu.memory_space<vmem_shared>> -> memref<10240x128xf32, #tpu.memory_space<vmem_shared>>
        tpu.enqueue_indirect_dma source(%arg9 : memref<128x128xf32, #tpu.memory_space<vmem>>) target(%dma_start3A_24 : memref<10240x128xf32, #tpu.memory_space<vmem_shared>>) offsets(%arg8 : memref<128xi32, #tpu.memory_space<vmem>>) semaphore(%run_scoped3A : memref<!tpu.dma_semaphore, #tpu.memory_space<semaphore_mem>>) {add = true}
        %dma_wait3A_25 = arith.constant 0 : i32
        %dma_wait3A_26 = arith.constant 0 : i32
        %dma_wait3A_27 = tpu.memref_slice %arg10[%dma_wait3A_25, %dma_wait3A_26] : memref<10240x128xf32, #tpu.memory_space<vmem_shared>> -> memref<10240x128xf32, #tpu.memory_space<vmem_shared>>
        tpu.wait_indirect_dma semaphore(%run_scoped3A : memref<!tpu.dma_semaphore, #tpu.memory_space<semaphore_mem>>) src(%arg9 : memref<128x128xf32, #tpu.memory_space<vmem>>) dst(%dma_wait3A_27 : memref<10240x128xf32, #tpu.memory_space<vmem_shared>>)
        tpu.yield
      }) : () -> ()
    }
    %scan3A_8 = arith.constant 79 : i32
    %barrier3A_9 = arith.constant 0 : index
    tpu.barrier barrier_id(%barrier3A_9)
    "tpu.region"() ({
      %run_scoped3A = tpu.sem_alloc : memref<!tpu.dma_semaphore, #tpu.memory_space<semaphore_mem>>
      %dma_start3A = arith.constant 0 : i32
      %dma_start3A_10 = tpu.memref_slice %arg6[%arg0, %mul3A_2, %dma_start3A] : memref<2x10240x128xf32, #tpu.memory_space<hbm>> -> memref<1x640x128xf32, #tpu.memory_space<hbm>>
      %dma_start3A_11 = tpu.memref_squeeze %dma_start3A_10 : memref<1x640x128xf32, #tpu.memory_space<hbm>> -> memref<640x128xf32, #tpu.memory_space<hbm>>
      %dma_start3A_12 = arith.constant 0 : i32
      %dma_start3A_13 = tpu.memref_slice %arg10[%mul3A_2, %dma_start3A_12] : memref<10240x128xf32, #tpu.memory_space<vmem_shared>> -> memref<640x128xf32, #tpu.memory_space<vmem_shared>>
      tpu.enqueue_dma source(%dma_start3A_13 : memref<640x128xf32, #tpu.memory_space<vmem_shared>>) target(%dma_start3A_11 : memref<640x128xf32, #tpu.memory_space<hbm>>) target_semaphore(%run_scoped3A : memref<!tpu.dma_semaphore, #tpu.memory_space<semaphore_mem>>)
      %dma_wait3A = arith.constant 0 : i32
      %dma_wait3A_14 = tpu.memref_slice %arg6[%arg0, %mul3A_2, %dma_wait3A] : memref<2x10240x128xf32, #tpu.memory_space<hbm>> -> memref<1x640x128xf32, #tpu.memory_space<hbm>>
      %dma_wait3A_15 = tpu.memref_squeeze %dma_wait3A_14 : memref<1x640x128xf32, #tpu.memory_space<hbm>> -> memref<640x128xf32, #tpu.memory_space<hbm>>
      %dma_wait3A_16 = arith.constant 0 : i32
      %dma_wait3A_17 = tpu.memref_slice %arg10[%mul3A_2, %dma_wait3A_16] : memref<10240x128xf32, #tpu.memory_space<vmem_shared>> -> memref<640x128xf32, #tpu.memory_space<vmem_shared>>
      tpu.wait_dma2 semaphore(%run_scoped3A : memref<!tpu.dma_semaphore, #tpu.memory_space<semaphore_mem>>) src(%dma_wait3A_17 : memref<640x128xf32, #tpu.memory_space<vmem_shared>>) dst(%dma_wait3A_15 : memref<640x128xf32, #tpu.memory_space<hbm>>)
      tpu.yield
    }) : () -> ()
    return
  }
}

#map = affine_map<(d0, d1) -> (0, 0)>
#map1 = affine_map<(d0, d1) -> (0)>
#map2 = affine_map<(d0, d1) -> (0, 0, 0)>
module attributes {stable_mosaic.version = 14 : i64} {
  func.func @_sc_segsum(%arg0: i32, %arg1: i32, %arg2: memref<10000x128xf32, #tpu.memory_space<hbm>>, %arg3: memref<323584xi32, #tpu.memory_space<hbm>>, %arg4: memref<323584xi32, #tpu.memory_space<hbm>>, %arg5: memref<10240x128xf32, #tpu.memory_space<hbm>>, %arg6: memref<2x10240x128xf32, #tpu.memory_space<hbm>>, %arg7: memref<128xi32, #tpu.memory_space<vmem>>, %arg8: memref<128xi32, #tpu.memory_space<vmem>>, %arg9: memref<128x128xf32, #tpu.memory_space<vmem>>, %arg10: memref<10240x128xf32, #tpu.memory_space<vmem_shared>>, %arg11: memref<!tpu.dma_semaphore, #tpu.memory_space<semaphore_mem>>) attributes {dimension_semantics = [#tpu.dimension_semantics<core_parallel>, #tpu.dimension_semantics<subcore_parallel>], iteration_bounds = array<i64: 2, 16>, scalar_prefetch = 0 : i64, scratch_operands = 5 : i64, tpu.core_type = #tpu.core_type<sc_vector_subcore>, window_params = [{transform_indices = #map}, {transform_indices = #map1}, {transform_indices = #map1}, {transform_indices = #map}, {transform_indices = #map2}]} {
    %mul3A = arith.constant 16 : i32
    %mul3A_0 = arith.muli %arg0, %mul3A : i32
    %add3A = arith.addi %mul3A_0, %arg1 : i32
    %mul3A_1 = arith.constant 640 : i32
    %mul3A_2 = arith.muli %arg1, %mul3A_1 : i32
    "tpu.region"() ({
      %run_scoped3A = tpu.sem_alloc : memref<!tpu.dma_semaphore, #tpu.memory_space<semaphore_mem>>
      %dma_start3A = arith.constant 0 : i32
      %dma_start3A_10 = tpu.memref_slice %arg10[%mul3A_2, %dma_start3A] : memref<10240x128xf32, #tpu.memory_space<vmem_shared>> -> memref<640x128xf32, #tpu.memory_space<vmem_shared>>
      %dma_start3A_11 = arith.constant 0 : i32
      %dma_start3A_12 = tpu.memref_slice %arg5[%mul3A_2, %dma_start3A_11] : memref<10240x128xf32, #tpu.memory_space<hbm>> -> memref<640x128xf32, #tpu.memory_space<hbm>>
      tpu.enqueue_dma source(%dma_start3A_12 : memref<640x128xf32, #tpu.memory_space<hbm>>) target(%dma_start3A_10 : memref<640x128xf32, #tpu.memory_space<vmem_shared>>) target_semaphore(%run_scoped3A : memref<!tpu.dma_semaphore, #tpu.memory_space<semaphore_mem>>)
      %dma_wait3A = arith.constant 0 : i32
      %dma_wait3A_13 = tpu.memref_slice %arg10[%mul3A_2, %dma_wait3A] : memref<10240x128xf32, #tpu.memory_space<vmem_shared>> -> memref<640x128xf32, #tpu.memory_space<vmem_shared>>
      %dma_wait3A_14 = arith.constant 0 : i32
      %dma_wait3A_15 = tpu.memref_slice %arg5[%mul3A_2, %dma_wait3A_14] : memref<10240x128xf32, #tpu.memory_space<hbm>> -> memref<640x128xf32, #tpu.memory_space<hbm>>
      tpu.wait_dma2 semaphore(%run_scoped3A : memref<!tpu.dma_semaphore, #tpu.memory_space<semaphore_mem>>) src(%dma_wait3A_15 : memref<640x128xf32, #tpu.memory_space<hbm>>) dst(%dma_wait3A_13 : memref<640x128xf32, #tpu.memory_space<vmem_shared>>)
      tpu.yield
    }) : () -> ()
    %barrier3A = arith.constant 0 : index
    tpu.barrier barrier_id(%barrier3A)
    %mul3A_3 = arith.constant 10112 : i32
    %mul3A_4 = arith.muli %add3A, %mul3A_3 : i32
    %scan3A = arith.constant 0 : i32
    %scan3A_5 = arith.constant 79 : i32
    %scan3A_6 = arith.addi %scan3A, %scan3A_5 : i32
    %scan3A_7 = arith.constant 1 : i32
    scf.for %scan3A_10 = %scan3A to %scan3A_6 step %scan3A_7  : i32 {
      %mul3A_11 = arith.constant 1 : i32
      %mul3A_12 = arith.muli %scan3A_10, %mul3A_11 : i32
      %add3A_13 = arith.constant 0 : i32
      %add3A_14 = arith.addi %add3A_13, %mul3A_12 : i32
      %mul3A_15 = arith.constant 128 : i32
      %mul3A_16 = arith.muli %add3A_14, %mul3A_15 : i32
      %add3A_17 = arith.addi %mul3A_4, %mul3A_16 : i32
      "tpu.region"() ({
        %run_scoped3A = tpu.sem_alloc : memref<!tpu.dma_semaphore, #tpu.memory_space<semaphore_mem>>
        %dma_start3A_22 = tpu.memref_slice %arg3[%add3A_17] : memref<323584xi32, #tpu.memory_space<hbm>> -> memref<128xi32, #tpu.memory_space<hbm>>
        %dma_start3A_23 = tpu.memref_slice %arg3[%add3A_17] : memref<323584xi32, #tpu.memory_space<hbm>> -> memref<128xi32, #tpu.memory_space<hbm>>
        tpu.enqueue_dma source(%dma_start3A_23 : memref<128xi32, #tpu.memory_space<hbm>>) target(%arg7 : memref<128xi32, #tpu.memory_space<vmem>>) target_semaphore(%run_scoped3A : memref<!tpu.dma_semaphore, #tpu.memory_space<semaphore_mem>>)
        %dma_wait3A_24 = tpu.memref_slice %arg3[%add3A_17] : memref<323584xi32, #tpu.memory_space<hbm>> -> memref<128xi32, #tpu.memory_space<hbm>>
        %dma_wait3A_25 = tpu.memref_slice %arg3[%add3A_17] : memref<323584xi32, #tpu.memory_space<hbm>> -> memref<128xi32, #tpu.memory_space<hbm>>
        tpu.wait_dma2 semaphore(%run_scoped3A : memref<!tpu.dma_semaphore, #tpu.memory_space<semaphore_mem>>) src(%dma_wait3A_25 : memref<128xi32, #tpu.memory_space<hbm>>) dst(%arg7 : memref<128xi32, #tpu.memory_space<vmem>>)
        tpu.yield
      }) : () -> ()
      "tpu.region"() ({
        %run_scoped3A = tpu.sem_alloc : memref<!tpu.dma_semaphore, #tpu.memory_space<semaphore_mem>>
        %dma_start3A_22 = tpu.memref_slice %arg4[%add3A_17] : memref<323584xi32, #tpu.memory_space<hbm>> -> memref<128xi32, #tpu.memory_space<hbm>>
        %dma_start3A_23 = tpu.memref_slice %arg4[%add3A_17] : memref<323584xi32, #tpu.memory_space<hbm>> -> memref<128xi32, #tpu.memory_space<hbm>>
        tpu.enqueue_dma source(%dma_start3A_23 : memref<128xi32, #tpu.memory_space<hbm>>) target(%arg8 : memref<128xi32, #tpu.memory_space<vmem>>) target_semaphore(%run_scoped3A : memref<!tpu.dma_semaphore, #tpu.memory_space<semaphore_mem>>)
        %dma_wait3A_24 = tpu.memref_slice %arg4[%add3A_17] : memref<323584xi32, #tpu.memory_space<hbm>> -> memref<128xi32, #tpu.memory_space<hbm>>
        %dma_wait3A_25 = tpu.memref_slice %arg4[%add3A_17] : memref<323584xi32, #tpu.memory_space<hbm>> -> memref<128xi32, #tpu.memory_space<hbm>>
        tpu.wait_dma2 semaphore(%run_scoped3A : memref<!tpu.dma_semaphore, #tpu.memory_space<semaphore_mem>>) src(%dma_wait3A_25 : memref<128xi32, #tpu.memory_space<hbm>>) dst(%arg8 : memref<128xi32, #tpu.memory_space<vmem>>)
        tpu.yield
      }) : () -> ()
      %dma_start3A = arith.constant 0 : i32
      %dma_start3A_18 = arith.constant 0 : i32
      %dma_start3A_19 = tpu.memref_slice %arg2[%dma_start3A, %dma_start3A_18] : memref<10000x128xf32, #tpu.memory_space<hbm>> -> memref<10000x128xf32, #tpu.memory_space<hbm>>
      tpu.enqueue_indirect_dma source(%dma_start3A_19 : memref<10000x128xf32, #tpu.memory_space<hbm>>) target(%arg9 : memref<128x128xf32, #tpu.memory_space<vmem>>) offsets(%arg7 : memref<128xi32, #tpu.memory_space<vmem>>) semaphore(%arg11 : memref<!tpu.dma_semaphore, #tpu.memory_space<semaphore_mem>>)
      %dma_wait3A = arith.constant 0 : i32
      %dma_wait3A_20 = arith.constant 0 : i32
      %dma_wait3A_21 = tpu.memref_slice %arg2[%dma_wait3A, %dma_wait3A_20] : memref<10000x128xf32, #tpu.memory_space<hbm>> -> memref<10000x128xf32, #tpu.memory_space<hbm>>
      tpu.wait_indirect_dma semaphore(%arg11 : memref<!tpu.dma_semaphore, #tpu.memory_space<semaphore_mem>>) src(%dma_wait3A_21 : memref<10000x128xf32, #tpu.memory_space<hbm>>) dst(%arg9 : memref<128x128xf32, #tpu.memory_space<vmem>>)
      "tpu.region"() ({
        %run_scoped3A = tpu.sem_alloc : memref<!tpu.dma_semaphore, #tpu.memory_space<semaphore_mem>>
        %dma_start3A_22 = arith.constant 0 : i32
        %dma_start3A_23 = arith.constant 0 : i32
        %dma_start3A_24 = tpu.memref_slice %arg10[%dma_start3A_22, %dma_start3A_23] : memref<10240x128xf32, #tpu.memory_space<vmem_shared>> -> memref<10240x128xf32, #tpu.memory_space<vmem_shared>>
        tpu.enqueue_indirect_dma source(%arg9 : memref<128x128xf32, #tpu.memory_space<vmem>>) target(%dma_start3A_24 : memref<10240x128xf32, #tpu.memory_space<vmem_shared>>) offsets(%arg8 : memref<128xi32, #tpu.memory_space<vmem>>) semaphore(%run_scoped3A : memref<!tpu.dma_semaphore, #tpu.memory_space<semaphore_mem>>) {add = true}
        %dma_wait3A_25 = arith.constant 0 : i32
        %dma_wait3A_26 = arith.constant 0 : i32
        %dma_wait3A_27 = tpu.memref_slice %arg10[%dma_wait3A_25, %dma_wait3A_26] : memref<10240x128xf32, #tpu.memory_space<vmem_shared>> -> memref<10240x128xf32, #tpu.memory_space<vmem_shared>>
        tpu.wait_indirect_dma semaphore(%run_scoped3A : memref<!tpu.dma_semaphore, #tpu.memory_space<semaphore_mem>>) src(%arg9 : memref<128x128xf32, #tpu.memory_space<vmem>>) dst(%dma_wait3A_27 : memref<10240x128xf32, #tpu.memory_space<vmem_shared>>)
        tpu.yield
      }) : () -> ()
    }
    %scan3A_8 = arith.constant 79 : i32
    %barrier3A_9 = arith.constant 0 : index
    tpu.barrier barrier_id(%barrier3A_9)
    "tpu.region"() ({
      %run_scoped3A = tpu.sem_alloc : memref<!tpu.dma_semaphore, #tpu.memory_space<semaphore_mem>>
      %dma_start3A = arith.constant 0 : i32
      %dma_start3A_10 = tpu.memref_slice %arg6[%arg0, %mul3A_2, %dma_start3A] : memref<2x10240x128xf32, #tpu.memory_space<hbm>> -> memref<1x640x128xf32, #tpu.memory_space<hbm>>
      %dma_start3A_11 = tpu.memref_squeeze %dma_start3A_10 : memref<1x640x128xf32, #tpu.memory_space<hbm>> -> memref<640x128xf32, #tpu.memory_space<hbm>>
      %dma_start3A_12 = arith.constant 0 : i32
      %dma_start3A_13 = tpu.memref_slice %arg10[%mul3A_2, %dma_start3A_12] : memref<10240x128xf32, #tpu.memory_space<vmem_shared>> -> memref<640x128xf32, #tpu.memory_space<vmem_shared>>
      tpu.enqueue_dma source(%dma_start3A_13 : memref<640x128xf32, #tpu.memory_space<vmem_shared>>) target(%dma_start3A_11 : memref<640x128xf32, #tpu.memory_space<hbm>>) target_semaphore(%run_scoped3A : memref<!tpu.dma_semaphore, #tpu.memory_space<semaphore_mem>>)
      %dma_wait3A = arith.constant 0 : i32
      %dma_wait3A_14 = tpu.memref_slice %arg6[%arg0, %mul3A_2, %dma_wait3A] : memref<2x10240x128xf32, #tpu.memory_space<hbm>> -> memref<1x640x128xf32, #tpu.memory_space<hbm>>
      %dma_wait3A_15 = tpu.memref_squeeze %dma_wait3A_14 : memref<1x640x128xf32, #tpu.memory_space<hbm>> -> memref<640x128xf32, #tpu.memory_space<hbm>>
      %dma_wait3A_16 = arith.constant 0 : i32
      %dma_wait3A_17 = tpu.memref_slice %arg10[%mul3A_2, %dma_wait3A_16] : memref<10240x128xf32, #tpu.memory_space<vmem_shared>> -> memref<640x128xf32, #tpu.memory_space<vmem_shared>>
      tpu.wait_dma2 semaphore(%run_scoped3A : memref<!tpu.dma_semaphore, #tpu.memory_space<semaphore_mem>>) src(%dma_wait3A_17 : memref<640x128xf32, #tpu.memory_space<vmem_shared>>) dst(%dma_wait3A_15 : memref<640x128xf32, #tpu.memory_space<hbm>>)
      tpu.yield
    }) : () -> ()
    return
  }
}

#map = affine_map<(d0, d1) -> (0)>
#map1 = affine_map<(d0, d1) -> (0, 0)>
#map2 = affine_map<(d0, d1) -> (0, 0, 0)>
module attributes {stable_mosaic.version = 14 : i64} {
  func.func @_sc_degree(%arg0: i32, %arg1: i32, %arg2: memref<323584xi32, #tpu.memory_space<hbm>>, %arg3: memref<10240x128xf32, #tpu.memory_space<hbm>>, %arg4: memref<128x128xf32, #tpu.memory_space<hbm>>, %arg5: memref<2x10240x128xf32, #tpu.memory_space<hbm>>, %arg6: memref<128xi32, #tpu.memory_space<vmem>>, %arg7: memref<128x128xf32, #tpu.memory_space<vmem>>, %arg8: memref<10240x128xf32, #tpu.memory_space<vmem_shared>>, %arg9: memref<!tpu.dma_semaphore, #tpu.memory_space<semaphore_mem>>) attributes {dimension_semantics = [#tpu.dimension_semantics<core_parallel>, #tpu.dimension_semantics<subcore_parallel>], iteration_bounds = array<i64: 2, 16>, scalar_prefetch = 0 : i64, scratch_operands = 4 : i64, tpu.core_type = #tpu.core_type<sc_vector_subcore>, window_params = [{transform_indices = #map}, {transform_indices = #map1}, {transform_indices = #map1}, {transform_indices = #map2}]} {
    %mul3A = arith.constant 16 : i32
    %mul3A_0 = arith.muli %arg0, %mul3A : i32
    %add3A = arith.addi %mul3A_0, %arg1 : i32
    %mul3A_1 = arith.constant 640 : i32
    %mul3A_2 = arith.muli %arg1, %mul3A_1 : i32
    "tpu.region"() ({
      %run_scoped3A = tpu.sem_alloc : memref<!tpu.dma_semaphore, #tpu.memory_space<semaphore_mem>>
      %dma_start3A = arith.constant 0 : i32
      %dma_start3A_10 = tpu.memref_slice %arg8[%mul3A_2, %dma_start3A] : memref<10240x128xf32, #tpu.memory_space<vmem_shared>> -> memref<640x128xf32, #tpu.memory_space<vmem_shared>>
      %dma_start3A_11 = arith.constant 0 : i32
      %dma_start3A_12 = tpu.memref_slice %arg3[%mul3A_2, %dma_start3A_11] : memref<10240x128xf32, #tpu.memory_space<hbm>> -> memref<640x128xf32, #tpu.memory_space<hbm>>
      tpu.enqueue_dma source(%dma_start3A_12 : memref<640x128xf32, #tpu.memory_space<hbm>>) target(%dma_start3A_10 : memref<640x128xf32, #tpu.memory_space<vmem_shared>>) target_semaphore(%run_scoped3A : memref<!tpu.dma_semaphore, #tpu.memory_space<semaphore_mem>>)
      %dma_wait3A = arith.constant 0 : i32
      %dma_wait3A_13 = tpu.memref_slice %arg8[%mul3A_2, %dma_wait3A] : memref<10240x128xf32, #tpu.memory_space<vmem_shared>> -> memref<640x128xf32, #tpu.memory_space<vmem_shared>>
      %dma_wait3A_14 = arith.constant 0 : i32
      %dma_wait3A_15 = tpu.memref_slice %arg3[%mul3A_2, %dma_wait3A_14] : memref<10240x128xf32, #tpu.memory_space<hbm>> -> memref<640x128xf32, #tpu.memory_space<hbm>>
      tpu.wait_dma2 semaphore(%run_scoped3A : memref<!tpu.dma_semaphore, #tpu.memory_space<semaphore_mem>>) src(%dma_wait3A_15 : memref<640x128xf32, #tpu.memory_space<hbm>>) dst(%dma_wait3A_13 : memref<640x128xf32, #tpu.memory_space<vmem_shared>>)
      tpu.yield
    }) : () -> ()
    "tpu.region"() ({
      %run_scoped3A = tpu.sem_alloc : memref<!tpu.dma_semaphore, #tpu.memory_space<semaphore_mem>>
      tpu.enqueue_dma source(%arg4 : memref<128x128xf32, #tpu.memory_space<hbm>>) target(%arg7 : memref<128x128xf32, #tpu.memory_space<vmem>>) target_semaphore(%run_scoped3A : memref<!tpu.dma_semaphore, #tpu.memory_space<semaphore_mem>>)
      tpu.wait_dma2 semaphore(%run_scoped3A : memref<!tpu.dma_semaphore, #tpu.memory_space<semaphore_mem>>) src(%arg4 : memref<128x128xf32, #tpu.memory_space<hbm>>) dst(%arg7 : memref<128x128xf32, #tpu.memory_space<vmem>>)
      tpu.yield
    }) : () -> ()
    %barrier3A = arith.constant 0 : index
    tpu.barrier barrier_id(%barrier3A)
    %mul3A_3 = arith.constant 10112 : i32
    %mul3A_4 = arith.muli %add3A, %mul3A_3 : i32
    %scan3A = arith.constant 0 : i32
    %scan3A_5 = arith.constant 79 : i32
    %scan3A_6 = arith.addi %scan3A, %scan3A_5 : i32
    %scan3A_7 = arith.constant 1 : i32
    scf.for %scan3A_10 = %scan3A to %scan3A_6 step %scan3A_7  : i32 {
      %mul3A_11 = arith.constant 1 : i32
      %mul3A_12 = arith.muli %scan3A_10, %mul3A_11 : i32
      %add3A_13 = arith.constant 0 : i32
      %add3A_14 = arith.addi %add3A_13, %mul3A_12 : i32
      %mul3A_15 = arith.constant 128 : i32
      %mul3A_16 = arith.muli %add3A_14, %mul3A_15 : i32
      %add3A_17 = arith.addi %mul3A_4, %mul3A_16 : i32
      "tpu.region"() ({
        %run_scoped3A = tpu.sem_alloc : memref<!tpu.dma_semaphore, #tpu.memory_space<semaphore_mem>>
        %dma_start3A = tpu.memref_slice %arg2[%add3A_17] : memref<323584xi32, #tpu.memory_space<hbm>> -> memref<128xi32, #tpu.memory_space<hbm>>
        %dma_start3A_18 = tpu.memref_slice %arg2[%add3A_17] : memref<323584xi32, #tpu.memory_space<hbm>> -> memref<128xi32, #tpu.memory_space<hbm>>
        tpu.enqueue_dma source(%dma_start3A_18 : memref<128xi32, #tpu.memory_space<hbm>>) target(%arg6 : memref<128xi32, #tpu.memory_space<vmem>>) target_semaphore(%run_scoped3A : memref<!tpu.dma_semaphore, #tpu.memory_space<semaphore_mem>>)
        %dma_wait3A = tpu.memref_slice %arg2[%add3A_17] : memref<323584xi32, #tpu.memory_space<hbm>> -> memref<128xi32, #tpu.memory_space<hbm>>
        %dma_wait3A_19 = tpu.memref_slice %arg2[%add3A_17] : memref<323584xi32, #tpu.memory_space<hbm>> -> memref<128xi32, #tpu.memory_space<hbm>>
        tpu.wait_dma2 semaphore(%run_scoped3A : memref<!tpu.dma_semaphore, #tpu.memory_space<semaphore_mem>>) src(%dma_wait3A_19 : memref<128xi32, #tpu.memory_space<hbm>>) dst(%arg6 : memref<128xi32, #tpu.memory_space<vmem>>)
        tpu.yield
      }) : () -> ()
      "tpu.region"() ({
        %run_scoped3A = tpu.sem_alloc : memref<!tpu.dma_semaphore, #tpu.memory_space<semaphore_mem>>
        %dma_start3A = arith.constant 0 : i32
        %dma_start3A_18 = arith.constant 0 : i32
        %dma_start3A_19 = tpu.memref_slice %arg8[%dma_start3A, %dma_start3A_18] : memref<10240x128xf32, #tpu.memory_space<vmem_shared>> -> memref<10240x128xf32, #tpu.memory_space<vmem_shared>>
        tpu.enqueue_indirect_dma source(%arg7 : memref<128x128xf32, #tpu.memory_space<vmem>>) target(%dma_start3A_19 : memref<10240x128xf32, #tpu.memory_space<vmem_shared>>) offsets(%arg6 : memref<128xi32, #tpu.memory_space<vmem>>) semaphore(%run_scoped3A : memref<!tpu.dma_semaphore, #tpu.memory_space<semaphore_mem>>) {add = true}
        %dma_wait3A = arith.constant 0 : i32
        %dma_wait3A_20 = arith.constant 0 : i32
        %dma_wait3A_21 = tpu.memref_slice %arg8[%dma_wait3A, %dma_wait3A_20] : memref<10240x128xf32, #tpu.memory_space<vmem_shared>> -> memref<10240x128xf32, #tpu.memory_space<vmem_shared>>
        tpu.wait_indirect_dma semaphore(%run_scoped3A : memref<!tpu.dma_semaphore, #tpu.memory_space<semaphore_mem>>) src(%arg7 : memref<128x128xf32, #tpu.memory_space<vmem>>) dst(%dma_wait3A_21 : memref<10240x128xf32, #tpu.memory_space<vmem_shared>>)
        tpu.yield
      }) : () -> ()
    }
    %scan3A_8 = arith.constant 79 : i32
    %barrier3A_9 = arith.constant 0 : index
    tpu.barrier barrier_id(%barrier3A_9)
    "tpu.region"() ({
      %run_scoped3A = tpu.sem_alloc : memref<!tpu.dma_semaphore, #tpu.memory_space<semaphore_mem>>
      %dma_start3A = arith.constant 0 : i32
      %dma_start3A_10 = tpu.memref_slice %arg5[%arg0, %mul3A_2, %dma_start3A] : memref<2x10240x128xf32, #tpu.memory_space<hbm>> -> memref<1x640x128xf32, #tpu.memory_space<hbm>>
      %dma_start3A_11 = tpu.memref_squeeze %dma_start3A_10 : memref<1x640x128xf32, #tpu.memory_space<hbm>> -> memref<640x128xf32, #tpu.memory_space<hbm>>
      %dma_start3A_12 = arith.constant 0 : i32
      %dma_start3A_13 = tpu.memref_slice %arg8[%mul3A_2, %dma_start3A_12] : memref<10240x128xf32, #tpu.memory_space<vmem_shared>> -> memref<640x128xf32, #tpu.memory_space<vmem_shared>>
      tpu.enqueue_dma source(%dma_start3A_13 : memref<640x128xf32, #tpu.memory_space<vmem_shared>>) target(%dma_start3A_11 : memref<640x128xf32, #tpu.memory_space<hbm>>) target_semaphore(%run_scoped3A : memref<!tpu.dma_semaphore, #tpu.memory_space<semaphore_mem>>)
      %dma_wait3A = arith.constant 0 : i32
      %dma_wait3A_14 = tpu.memref_slice %arg5[%arg0, %mul3A_2, %dma_wait3A] : memref<2x10240x128xf32, #tpu.memory_space<hbm>> -> memref<1x640x128xf32, #tpu.memory_space<hbm>>
      %dma_wait3A_15 = tpu.memref_squeeze %dma_wait3A_14 : memref<1x640x128xf32, #tpu.memory_space<hbm>> -> memref<640x128xf32, #tpu.memory_space<hbm>>
      %dma_wait3A_16 = arith.constant 0 : i32
      %dma_wait3A_17 = tpu.memref_slice %arg8[%mul3A_2, %dma_wait3A_16] : memref<10240x128xf32, #tpu.memory_space<vmem_shared>> -> memref<640x128xf32, #tpu.memory_space<vmem_shared>>
      tpu.wait_dma2 semaphore(%run_scoped3A : memref<!tpu.dma_semaphore, #tpu.memory_space<semaphore_mem>>) src(%dma_wait3A_17 : memref<640x128xf32, #tpu.memory_space<vmem_shared>>) dst(%dma_wait3A_15 : memref<640x128xf32, #tpu.memory_space<hbm>>)
      tpu.yield
    }) : () -> ()
    return
  }
}

module attributes {stable_mosaic.version = 14 : i64} {
  func.func @body(%arg0: i32, %arg1: memref<1000x128xf32, #tpu.memory_space<vmem>>, %arg2: memref<128x128xf32, #tpu.memory_space<vmem>>, %arg3: memref<1000x128xf32, #tpu.memory_space<vmem>>) attributes {dimension_semantics = [#tpu.dimension_semantics<arbitrary>], iteration_bounds = array<i64: 10>, scalar_prefetch = 0 : i64, scratch_operands = 0 : i64, tpu.core_type = #tpu.core_type<tc>, window_params = [{transform_indices = @transform_0, window_bounds = array<i64: 1000, 128>}, {pipeline_mode = #tpu.pipeline_mode<synchronous>, transform_indices = @transform_1, window_bounds = array<i64: 128, 128>}, {transform_indices = @transform_2, window_bounds = array<i64: 1000, 128>}]} {
    %get3A = arith.constant 0 : index
    %get3A_0 = arith.constant 0 : index
    %get3A_1 = vector.load %arg1[%get3A, %get3A_0] : memref<1000x128xf32, #tpu.memory_space<vmem>>, vector<1000x128xf32>
    %get3A_2 = arith.constant 0 : index
    %get3A_3 = arith.constant 0 : index
    %get3A_4 = vector.load %arg2[%get3A_2, %get3A_3] : memref<128x128xf32, #tpu.memory_space<vmem>>, vector<128x128xf32>
    %dot_general3A = arith.constant dense<0.000000e+00> : vector<1000x128xf32>
    %dot_general3A_5 = tpu.matmul %get3A_1, %get3A_4, %dot_general3A {dimension_numbers = #tpu.dot_dimension_numbers<[1], [0], [0], [1], [0, 0, 1, 1], [], []>, transpose_lhs_hint = false} : vector<1000x128xf32>, vector<128x128xf32>, vector<1000x128xf32> -> vector<1000x128xf32>
    %swap3A = arith.constant 0 : index
    %swap3A_6 = arith.constant 0 : index
    %swap3A_7 = vector.load %arg3[%swap3A, %swap3A_6] : memref<1000x128xf32, #tpu.memory_space<vmem>>, vector<1000x128xf32>
    tpu.vector_store %arg3[%swap3A, %swap3A_6], %dot_general3A_5 {strides = array<i32>} : memref<1000x128xf32, #tpu.memory_space<vmem>>, vector<1000x128xf32>,
    return
  }
  func.func @transform_0(%arg0: i32) -> (i32, i32) {
    %c0_i32 = arith.constant 0 : i32
    %c0_i32_0 = arith.constant 0 : i32
    return %arg0, %c0_i32 : i32, i32
  }
  func.func @transform_1(%arg0: i32) -> (i32, i32) {
    %c0_i32 = arith.constant 0 : i32
    %c0_i32_0 = arith.constant 0 : i32
    %c0_i32_1 = arith.constant 0 : i32
    return %c0_i32, %c0_i32_0 : i32, i32
  }
  func.func @transform_2(%arg0: i32) -> (i32, i32) {
    %c0_i32 = arith.constant 0 : i32
    %c0_i32_0 = arith.constant 0 : i32
    return %arg0, %c0_i32 : i32, i32
  }
}

module attributes {stable_mosaic.version = 14 : i64} {
  func.func @body(%arg0: i32, %arg1: memref<1000x128xf32, #tpu.memory_space<vmem>>, %arg2: memref<1x1000x128xf32, #tpu.memory_space<vmem>>, %arg3: memref<1x1000x128xf32, #tpu.memory_space<vmem>>, %arg4: memref<1x1000x128xf32, #tpu.memory_space<vmem>>, %arg5: memref<1x1000x128xf32, #tpu.memory_space<vmem>>, %arg6: memref<128x128xf32, #tpu.memory_space<vmem>>, %arg7: memref<1x128xf32, #tpu.memory_space<vmem>>, %arg8: memref<128x128xf32, #tpu.memory_space<vmem>>, %arg9: memref<1000x128xf32, #tpu.memory_space<vmem>>, %arg10: memref<1000x128xf32, #tpu.memory_space<vmem>>) attributes {dimension_semantics = [#tpu.dimension_semantics<arbitrary>], iteration_bounds = array<i64: 10>, scalar_prefetch = 0 : i64, scratch_operands = 0 : i64, tpu.core_type = #tpu.core_type<tc>, window_params = [{transform_indices = @transform_0, window_bounds = array<i64: 1000, 128>}, {transform_indices = @transform_1, window_bounds = array<i64: 1, 1000, 128>}, {transform_indices = @transform_2, window_bounds = array<i64: 1, 1000, 128>}, {transform_indices = @transform_3, window_bounds = array<i64: 1, 1000, 128>}, {transform_indices = @transform_4, window_bounds = array<i64: 1, 1000, 128>}, {pipeline_mode = #tpu.pipeline_mode<synchronous>, transform_indices = @transform_5, window_bounds = array<i64: 128, 128>}, {pipeline_mode = #tpu.pipeline_mode<synchronous>, transform_indices = @transform_6, window_bounds = array<i64: 1, 128>}, {pipeline_mode = #tpu.pipeline_mode<synchronous>, transform_indices = @transform_7, window_bounds = array<i64: 128, 128>}, {transform_indices = @transform_8, window_bounds = array<i64: 1000, 128>}, {transform_indices = @transform_9, window_bounds = array<i64: 1000, 128>}]} {
    %get3A = arith.constant 0 : index
    %get3A_0 = arith.constant 0 : index
    %get3A_1 = arith.constant 0 : index
    %get3A_2 = vector.load %arg4[%get3A, %get3A_0, %get3A_1] : memref<1x1000x128xf32, #tpu.memory_space<vmem>>, vector<1x1000x1xf32>
    %get3A_3 = vector.shape_cast %get3A_2 : vector<1x1000x1xf32> to vector<1000x1xf32>
    %get3A_4 = arith.constant 0 : index
    %get3A_5 = arith.constant 0 : index
    %get3A_6 = arith.constant 0 : index
    %get3A_7 = vector.load %arg5[%get3A_4, %get3A_5, %get3A_6] : memref<1x1000x128xf32, #tpu.memory_space<vmem>>, vector<1x1000x1xf32>
    %get3A_8 = vector.shape_cast %get3A_7 : vector<1x1000x1xf32> to vector<1000x1xf32>
    %add3A = arith.addf %get3A_3, %get3A_8 : vector<1000x1xf32>
    %max3A = arith.constant 1.000000e+00 : f32
    %max3A_9 = vector.broadcast %max3A : f32 to vector<1000x1xf32>
    %max3A_10 = arith.maximumf %add3A, %max3A_9 : vector<1000x1xf32>
    %div3A = arith.constant 1.000000e+00 : f32
    %div3A_11 = vector.broadcast %div3A : f32 to vector<1000x1xf32>
    %div3A_12 = arith.divf %div3A_11, %max3A_10 : vector<1000x1xf32>
    %get3A_13 = arith.constant 0 : index
    %get3A_14 = arith.constant 0 : index
    %get3A_15 = arith.constant 0 : index
    %get3A_16 = vector.load %arg2[%get3A_13, %get3A_14, %get3A_15] : memref<1x1000x128xf32, #tpu.memory_space<vmem>>, vector<1x1000x128xf32>
    %get3A_17 = vector.shape_cast %get3A_16 : vector<1x1000x128xf32> to vector<1000x128xf32>
    %get3A_18 = arith.constant 0 : index
    %get3A_19 = arith.constant 0 : index
    %get3A_20 = arith.constant 0 : index
    %get3A_21 = vector.load %arg3[%get3A_18, %get3A_19, %get3A_20] : memref<1x1000x128xf32, #tpu.memory_space<vmem>>, vector<1x1000x128xf32>
    %get3A_22 = vector.shape_cast %get3A_21 : vector<1x1000x128xf32> to vector<1000x128xf32>
    %add3A_23 = arith.addf %get3A_17, %get3A_22 : vector<1000x128xf32>
    %mul3A = vector.broadcast %div3A_12 : vector<1000x1xf32> to vector<1000x128xf32>
    %mul3A_24 = arith.mulf %add3A_23, %mul3A : vector<1000x128xf32>
    %get3A_25 = arith.constant 0 : index
    %get3A_26 = arith.constant 0 : index
    %get3A_27 = vector.load %arg1[%get3A_25, %get3A_26] : memref<1000x128xf32, #tpu.memory_space<vmem>>, vector<1000x128xf32>
    %get3A_28 = arith.constant 0 : index
    %get3A_29 = arith.constant 0 : index
    %get3A_30 = vector.load %arg6[%get3A_28, %get3A_29] : memref<128x128xf32, #tpu.memory_space<vmem>>, vector<128x128xf32>
    %dot_general3A = arith.constant dense<0.000000e+00> : vector<1000x128xf32>
    %dot_general3A_31 = tpu.matmul %get3A_27, %get3A_30, %dot_general3A {dimension_numbers = #tpu.dot_dimension_numbers<[1], [0], [0], [1], [0, 0, 1, 1], [], []>, transpose_lhs_hint = false} : vector<1000x128xf32>, vector<128x128xf32>, vector<1000x128xf32> -> vector<1000x128xf32>
    %add3A_32 = arith.addf %dot_general3A_31, %mul3A_24 : vector<1000x128xf32>
    %get3A_33 = arith.constant 0 : index
    %get3A_34 = arith.constant 0 : index
    %get3A_35 = vector.load %arg7[%get3A_33, %get3A_34] : memref<1x128xf32, #tpu.memory_space<vmem>>, vector<1x128xf32>
    %add3A_36 = vector.broadcast %get3A_35 : vector<1x128xf32> to vector<1000x128xf32>
    %add3A_37 = arith.addf %add3A_32, %add3A_36 : vector<1000x128xf32>
    %max3A_38 = arith.constant 0.000000e+00 : f32
    %max3A_39 = vector.broadcast %max3A_38 : f32 to vector<1000x128xf32>
    %max3A_40 = arith.maximumf %add3A_37, %max3A_39 : vector<1000x128xf32>
    %swap3A = arith.constant 0 : index
    %swap3A_41 = arith.constant 0 : index
    %swap3A_42 = vector.load %arg9[%swap3A, %swap3A_41] : memref<1000x128xf32, #tpu.memory_space<vmem>>, vector<1000x128xf32>
    tpu.vector_store %arg9[%swap3A, %swap3A_41], %max3A_40 {strides = array<i32>} : memref<1000x128xf32, #tpu.memory_space<vmem>>, vector<1000x128xf32>,
    %get3A_43 = arith.constant 0 : index
    %get3A_44 = arith.constant 0 : index
    %get3A_45 = vector.load %arg8[%get3A_43, %get3A_44] : memref<128x128xf32, #tpu.memory_space<vmem>>, vector<128x128xf32>
    %dot_general3A_46 = arith.constant dense<0.000000e+00> : vector<1000x128xf32>
    %dot_general3A_47 = tpu.matmul %max3A_40, %get3A_45, %dot_general3A_46 {dimension_numbers = #tpu.dot_dimension_numbers<[1], [0], [0], [1], [0, 0, 1, 1], [], []>, transpose_lhs_hint = false} : vector<1000x128xf32>, vector<128x128xf32>, vector<1000x128xf32> -> vector<1000x128xf32>
    %swap3A_48 = arith.constant 0 : index
    %swap3A_49 = arith.constant 0 : index
    %swap3A_50 = vector.load %arg10[%swap3A_48, %swap3A_49] : memref<1000x128xf32, #tpu.memory_space<vmem>>, vector<1000x128xf32>
    tpu.vector_store %arg10[%swap3A_48, %swap3A_49], %dot_general3A_47 {strides = array<i32>} : memref<1000x128xf32, #tpu.memory_space<vmem>>, vector<1000x128xf32>,
    return
  }
  func.func @transform_0(%arg0: i32) -> (i32, i32) {
    %c0_i32 = arith.constant 0 : i32
    %c0_i32_0 = arith.constant 0 : i32
    return %arg0, %c0_i32 : i32, i32
  }
  func.func @transform_1(%arg0: i32) -> (i32, i32, i32) {
    %c0_i32 = arith.constant 0 : i32
    %c0_i32_0 = arith.constant 0 : i32
    %c0_i32_1 = arith.constant 0 : i32
    return %c0_i32, %arg0, %c0_i32_0 : i32, i32, i32
  }
  func.func @transform_2(%arg0: i32) -> (i32, i32, i32) {
    %c1_i32 = arith.constant 1 : i32
    %c0_i32 = arith.constant 0 : i32
    %c0_i32_0 = arith.constant 0 : i32
    return %c1_i32, %arg0, %c0_i32 : i32, i32, i32
  }
  func.func @transform_3(%arg0: i32) -> (i32, i32, i32) {
    %c0_i32 = arith.constant 0 : i32
    %c0_i32_0 = arith.constant 0 : i32
    %c0_i32_1 = arith.constant 0 : i32
    return %c0_i32, %arg0, %c0_i32_0 : i32, i32, i32
  }
  func.func @transform_4(%arg0: i32) -> (i32, i32, i32) {
    %c1_i32 = arith.constant 1 : i32
    %c0_i32 = arith.constant 0 : i32
    %c0_i32_0 = arith.constant 0 : i32
    return %c1_i32, %arg0, %c0_i32 : i32, i32, i32
  }
  func.func @transform_5(%arg0: i32) -> (i32, i32) {
    %c0_i32 = arith.constant 0 : i32
    %c0_i32_0 = arith.constant 0 : i32
    %c0_i32_1 = arith.constant 0 : i32
    return %c0_i32, %c0_i32_0 : i32, i32
  }
  func.func @transform_6(%arg0: i32) -> (i32, i32) {
    %c0_i32 = arith.constant 0 : i32
    %c0_i32_0 = arith.constant 0 : i32
    %c0_i32_1 = arith.constant 0 : i32
    return %c0_i32, %c0_i32_0 : i32, i32
  }
  func.func @transform_7(%arg0: i32) -> (i32, i32) {
    %c0_i32 = arith.constant 0 : i32
    %c0_i32_0 = arith.constant 0 : i32
    %c0_i32_1 = arith.constant 0 : i32
    return %c0_i32, %c0_i32_0 : i32, i32
  }
  func.func @transform_8(%arg0: i32) -> (i32, i32) {
    %c0_i32 = arith.constant 0 : i32
    %c0_i32_0 = arith.constant 0 : i32
    return %arg0, %c0_i32 : i32, i32
  }
  func.func @transform_9(%arg0: i32) -> (i32, i32) {
    %c0_i32 = arith.constant 0 : i32
    %c0_i32_0 = arith.constant 0 : i32
    return %arg0, %c0_i32 : i32, i32
  }
}

module attributes {stable_mosaic.version = 14 : i64} {
  func.func @body(%arg0: i32, %arg1: memref<1000x128xf32, #tpu.memory_space<vmem>>, %arg2: memref<1x1000x128xf32, #tpu.memory_space<vmem>>, %arg3: memref<1x1000x128xf32, #tpu.memory_space<vmem>>, %arg4: memref<1x1000x128xf32, #tpu.memory_space<vmem>>, %arg5: memref<1x1000x128xf32, #tpu.memory_space<vmem>>, %arg6: memref<128x128xf32, #tpu.memory_space<vmem>>, %arg7: memref<1x128xf32, #tpu.memory_space<vmem>>, %arg8: memref<1000x128xf32, #tpu.memory_space<vmem>>) attributes {dimension_semantics = [#tpu.dimension_semantics<arbitrary>], iteration_bounds = array<i64: 10>, scalar_prefetch = 0 : i64, scratch_operands = 0 : i64, tpu.core_type = #tpu.core_type<tc>, window_params = [{transform_indices = @transform_0, window_bounds = array<i64: 1000, 128>}, {transform_indices = @transform_1, window_bounds = array<i64: 1, 1000, 128>}, {transform_indices = @transform_2, window_bounds = array<i64: 1, 1000, 128>}, {transform_indices = @transform_3, window_bounds = array<i64: 1, 1000, 128>}, {transform_indices = @transform_4, window_bounds = array<i64: 1, 1000, 128>}, {pipeline_mode = #tpu.pipeline_mode<synchronous>, transform_indices = @transform_5, window_bounds = array<i64: 128, 128>}, {pipeline_mode = #tpu.pipeline_mode<synchronous>, transform_indices = @transform_6, window_bounds = array<i64: 1, 128>}, {transform_indices = @transform_7, window_bounds = array<i64: 1000, 128>}]} {
    %get3A = arith.constant 0 : index
    %get3A_0 = arith.constant 0 : index
    %get3A_1 = arith.constant 0 : index
    %get3A_2 = vector.load %arg4[%get3A, %get3A_0, %get3A_1] : memref<1x1000x128xf32, #tpu.memory_space<vmem>>, vector<1x1000x1xf32>
    %get3A_3 = vector.shape_cast %get3A_2 : vector<1x1000x1xf32> to vector<1000x1xf32>
    %get3A_4 = arith.constant 0 : index
    %get3A_5 = arith.constant 0 : index
    %get3A_6 = arith.constant 0 : index
    %get3A_7 = vector.load %arg5[%get3A_4, %get3A_5, %get3A_6] : memref<1x1000x128xf32, #tpu.memory_space<vmem>>, vector<1x1000x1xf32>
    %get3A_8 = vector.shape_cast %get3A_7 : vector<1x1000x1xf32> to vector<1000x1xf32>
    %add3A = arith.addf %get3A_3, %get3A_8 : vector<1000x1xf32>
    %max3A = arith.constant 1.000000e+00 : f32
    %max3A_9 = vector.broadcast %max3A : f32 to vector<1000x1xf32>
    %max3A_10 = arith.maximumf %add3A, %max3A_9 : vector<1000x1xf32>
    %div3A = arith.constant 1.000000e+00 : f32
    %div3A_11 = vector.broadcast %div3A : f32 to vector<1000x1xf32>
    %div3A_12 = arith.divf %div3A_11, %max3A_10 : vector<1000x1xf32>
    %get3A_13 = arith.constant 0 : index
    %get3A_14 = arith.constant 0 : index
    %get3A_15 = arith.constant 0 : index
    %get3A_16 = vector.load %arg2[%get3A_13, %get3A_14, %get3A_15] : memref<1x1000x128xf32, #tpu.memory_space<vmem>>, vector<1x1000x128xf32>
    %get3A_17 = vector.shape_cast %get3A_16 : vector<1x1000x128xf32> to vector<1000x128xf32>
    %get3A_18 = arith.constant 0 : index
    %get3A_19 = arith.constant 0 : index
    %get3A_20 = arith.constant 0 : index
    %get3A_21 = vector.load %arg3[%get3A_18, %get3A_19, %get3A_20] : memref<1x1000x128xf32, #tpu.memory_space<vmem>>, vector<1x1000x128xf32>
    %get3A_22 = vector.shape_cast %get3A_21 : vector<1x1000x128xf32> to vector<1000x128xf32>
    %add3A_23 = arith.addf %get3A_17, %get3A_22 : vector<1000x128xf32>
    %mul3A = vector.broadcast %div3A_12 : vector<1000x1xf32> to vector<1000x128xf32>
    %mul3A_24 = arith.mulf %add3A_23, %mul3A : vector<1000x128xf32>
    %get3A_25 = arith.constant 0 : index
    %get3A_26 = arith.constant 0 : index
    %get3A_27 = vector.load %arg1[%get3A_25, %get3A_26] : memref<1000x128xf32, #tpu.memory_space<vmem>>, vector<1000x128xf32>
    %get3A_28 = arith.constant 0 : index
    %get3A_29 = arith.constant 0 : index
    %get3A_30 = vector.load %arg6[%get3A_28, %get3A_29] : memref<128x128xf32, #tpu.memory_space<vmem>>, vector<128x128xf32>
    %dot_general3A = arith.constant dense<0.000000e+00> : vector<1000x128xf32>
    %dot_general3A_31 = tpu.matmul %get3A_27, %get3A_30, %dot_general3A {dimension_numbers = #tpu.dot_dimension_numbers<[1], [0], [0], [1], [0, 0, 1, 1], [], []>, transpose_lhs_hint = false} : vector<1000x128xf32>, vector<128x128xf32>, vector<1000x128xf32> -> vector<1000x128xf32>
    %add3A_32 = arith.addf %dot_general3A_31, %mul3A_24 : vector<1000x128xf32>
    %get3A_33 = arith.constant 0 : index
    %get3A_34 = arith.constant 0 : index
    %get3A_35 = vector.load %arg7[%get3A_33, %get3A_34] : memref<1x128xf32, #tpu.memory_space<vmem>>, vector<1x128xf32>
    %add3A_36 = vector.broadcast %get3A_35 : vector<1x128xf32> to vector<1000x128xf32>
    %add3A_37 = arith.addf %add3A_32, %add3A_36 : vector<1000x128xf32>
    %max3A_38 = arith.constant 0.000000e+00 : f32
    %max3A_39 = vector.broadcast %max3A_38 : f32 to vector<1000x128xf32>
    %max3A_40 = arith.maximumf %add3A_37, %max3A_39 : vector<1000x128xf32>
    %swap3A = arith.constant 0 : index
    %swap3A_41 = arith.constant 0 : index
    %swap3A_42 = vector.load %arg8[%swap3A, %swap3A_41] : memref<1000x128xf32, #tpu.memory_space<vmem>>, vector<1000x128xf32>
    tpu.vector_store %arg8[%swap3A, %swap3A_41], %max3A_40 {strides = array<i32>} : memref<1000x128xf32, #tpu.memory_space<vmem>>, vector<1000x128xf32>,
    return
  }
  func.func @transform_0(%arg0: i32) -> (i32, i32) {
    %c0_i32 = arith.constant 0 : i32
    %c0_i32_0 = arith.constant 0 : i32
    return %arg0, %c0_i32 : i32, i32
  }
  func.func @transform_1(%arg0: i32) -> (i32, i32, i32) {
    %c0_i32 = arith.constant 0 : i32
    %c0_i32_0 = arith.constant 0 : i32
    %c0_i32_1 = arith.constant 0 : i32
    return %c0_i32, %arg0, %c0_i32_0 : i32, i32, i32
  }
  func.func @transform_2(%arg0: i32) -> (i32, i32, i32) {
    %c1_i32 = arith.constant 1 : i32
    %c0_i32 = arith.constant 0 : i32
    %c0_i32_0 = arith.constant 0 : i32
    return %c1_i32, %arg0, %c0_i32 : i32, i32, i32
  }
  func.func @transform_3(%arg0: i32) -> (i32, i32, i32) {
    %c0_i32 = arith.constant 0 : i32
    %c0_i32_0 = arith.constant 0 : i32
    %c0_i32_1 = arith.constant 0 : i32
    return %c0_i32, %arg0, %c0_i32_0 : i32, i32, i32
  }
  func.func @transform_4(%arg0: i32) -> (i32, i32, i32) {
    %c1_i32 = arith.constant 1 : i32
    %c0_i32 = arith.constant 0 : i32
    %c0_i32_0 = arith.constant 0 : i32
    return %c1_i32, %arg0, %c0_i32 : i32, i32, i32
  }
  func.func @transform_5(%arg0: i32) -> (i32, i32) {
    %c0_i32 = arith.constant 0 : i32
    %c0_i32_0 = arith.constant 0 : i32
    %c0_i32_1 = arith.constant 0 : i32
    return %c0_i32, %c0_i32_0 : i32, i32
  }
  func.func @transform_6(%arg0: i32) -> (i32, i32) {
    %c0_i32 = arith.constant 0 : i32
    %c0_i32_0 = arith.constant 0 : i32
    %c0_i32_1 = arith.constant 0 : i32
    return %c0_i32, %c0_i32_0 : i32, i32
  }
  func.func @transform_7(%arg0: i32) -> (i32, i32) {
    %c0_i32 = arith.constant 0 : i32
    %c0_i32_0 = arith.constant 0 : i32
    return %arg0, %c0_i32 : i32, i32
  }
}

module attributes {stable_mosaic.version = 14 : i64} {
  func.func @body(%arg0: i32, %arg1: memref<1000x128xf32, #tpu.memory_space<vmem>>, %arg2: memref<1x1000x128xf32, #tpu.memory_space<vmem>>, %arg3: memref<1x1000x128xf32, #tpu.memory_space<vmem>>, %arg4: memref<1x1000x128xf32, #tpu.memory_space<vmem>>, %arg5: memref<1x1000x128xf32, #tpu.memory_space<vmem>>, %arg6: memref<128x16xf32, #tpu.memory_space<vmem>>, %arg7: memref<1x16xf32, #tpu.memory_space<vmem>>, %arg8: memref<128x16xf32, #tpu.memory_space<vmem>>, %arg9: memref<1000x16xf32, #tpu.memory_space<vmem>>) attributes {dimension_semantics = [#tpu.dimension_semantics<arbitrary>], iteration_bounds = array<i64: 10>, scalar_prefetch = 0 : i64, scratch_operands = 0 : i64, tpu.core_type = #tpu.core_type<tc>, window_params = [{transform_indices = @transform_0, window_bounds = array<i64: 1000, 128>}, {transform_indices = @transform_1, window_bounds = array<i64: 1, 1000, 128>}, {transform_indices = @transform_2, window_bounds = array<i64: 1, 1000, 128>}, {transform_indices = @transform_3, window_bounds = array<i64: 1, 1000, 128>}, {transform_indices = @transform_4, window_bounds = array<i64: 1, 1000, 128>}, {pipeline_mode = #tpu.pipeline_mode<synchronous>, transform_indices = @transform_5, window_bounds = array<i64: 128, 16>}, {pipeline_mode = #tpu.pipeline_mode<synchronous>, transform_indices = @transform_6, window_bounds = array<i64: 1, 16>}, {pipeline_mode = #tpu.pipeline_mode<synchronous>, transform_indices = @transform_7, window_bounds = array<i64: 128, 16>}, {transform_indices = @transform_8, window_bounds = array<i64: 1000, 16>}]} {
    %get3A = arith.constant 0 : index
    %get3A_0 = arith.constant 0 : index
    %get3A_1 = arith.constant 0 : index
    %get3A_2 = vector.load %arg4[%get3A, %get3A_0, %get3A_1] : memref<1x1000x128xf32, #tpu.memory_space<vmem>>, vector<1x1000x1xf32>
    %get3A_3 = vector.shape_cast %get3A_2 : vector<1x1000x1xf32> to vector<1000x1xf32>
    %get3A_4 = arith.constant 0 : index
    %get3A_5 = arith.constant 0 : index
    %get3A_6 = arith.constant 0 : index
    %get3A_7 = vector.load %arg5[%get3A_4, %get3A_5, %get3A_6] : memref<1x1000x128xf32, #tpu.memory_space<vmem>>, vector<1x1000x1xf32>
    %get3A_8 = vector.shape_cast %get3A_7 : vector<1x1000x1xf32> to vector<1000x1xf32>
    %add3A = arith.addf %get3A_3, %get3A_8 : vector<1000x1xf32>
    %max3A = arith.constant 1.000000e+00 : f32
    %max3A_9 = vector.broadcast %max3A : f32 to vector<1000x1xf32>
    %max3A_10 = arith.maximumf %add3A, %max3A_9 : vector<1000x1xf32>
    %div3A = arith.constant 1.000000e+00 : f32
    %div3A_11 = vector.broadcast %div3A : f32 to vector<1000x1xf32>
    %div3A_12 = arith.divf %div3A_11, %max3A_10 : vector<1000x1xf32>
    %get3A_13 = arith.constant 0 : index
    %get3A_14 = arith.constant 0 : index
    %get3A_15 = arith.constant 0 : index
    %get3A_16 = vector.load %arg2[%get3A_13, %get3A_14, %get3A_15] : memref<1x1000x128xf32, #tpu.memory_space<vmem>>, vector<1x1000x128xf32>
    %get3A_17 = vector.shape_cast %get3A_16 : vector<1x1000x128xf32> to vector<1000x128xf32>
    %get3A_18 = arith.constant 0 : index
    %get3A_19 = arith.constant 0 : index
    %get3A_20 = arith.constant 0 : index
    %get3A_21 = vector.load %arg3[%get3A_18, %get3A_19, %get3A_20] : memref<1x1000x128xf32, #tpu.memory_space<vmem>>, vector<1x1000x128xf32>
    %get3A_22 = vector.shape_cast %get3A_21 : vector<1x1000x128xf32> to vector<1000x128xf32>
    %add3A_23 = arith.addf %get3A_17, %get3A_22 : vector<1000x128xf32>
    %mul3A = vector.broadcast %div3A_12 : vector<1000x1xf32> to vector<1000x128xf32>
    %mul3A_24 = arith.mulf %add3A_23, %mul3A : vector<1000x128xf32>
    %get3A_25 = arith.constant 0 : index
    %get3A_26 = arith.constant 0 : index
    %get3A_27 = vector.load %arg8[%get3A_25, %get3A_26] : memref<128x16xf32, #tpu.memory_space<vmem>>, vector<128x16xf32>
    %dot_general3A = arith.constant dense<0.000000e+00> : vector<1000x16xf32>
    %dot_general3A_28 = tpu.matmul %mul3A_24, %get3A_27, %dot_general3A {dimension_numbers = #tpu.dot_dimension_numbers<[1], [0], [0], [1], [0, 0, 1, 1], [], []>, transpose_lhs_hint = false} : vector<1000x128xf32>, vector<128x16xf32>, vector<1000x16xf32> -> vector<1000x16xf32>
    %get3A_29 = arith.constant 0 : index
    %get3A_30 = arith.constant 0 : index
    %get3A_31 = vector.load %arg1[%get3A_29, %get3A_30] : memref<1000x128xf32, #tpu.memory_space<vmem>>, vector<1000x128xf32>
    %get3A_32 = arith.constant 0 : index
    %get3A_33 = arith.constant 0 : index
    %get3A_34 = vector.load %arg6[%get3A_32, %get3A_33] : memref<128x16xf32, #tpu.memory_space<vmem>>, vector<128x16xf32>
    %dot_general3A_35 = arith.constant dense<0.000000e+00> : vector<1000x16xf32>
    %dot_general3A_36 = tpu.matmul %get3A_31, %get3A_34, %dot_general3A_35 {dimension_numbers = #tpu.dot_dimension_numbers<[1], [0], [0], [1], [0, 0, 1, 1], [], []>, transpose_lhs_hint = false} : vector<1000x128xf32>, vector<128x16xf32>, vector<1000x16xf32> -> vector<1000x16xf32>
    %add3A_37 = arith.addf %dot_general3A_36, %dot_general3A_28 : vector<1000x16xf32>
    %get3A_38 = arith.constant 0 : index
    %get3A_39 = arith.constant 0 : index
    %get3A_40 = vector.load %arg7[%get3A_38, %get3A_39] : memref<1x16xf32, #tpu.memory_space<vmem>>, vector<1x16xf32>
    %add3A_41 = vector.broadcast %get3A_40 : vector<1x16xf32> to vector<1000x16xf32>
    %add3A_42 = arith.addf %add3A_37, %add3A_41 : vector<1000x16xf32>
    %swap3A = arith.constant 0 : index
    %swap3A_43 = arith.constant 0 : index
    %swap3A_44 = vector.load %arg9[%swap3A, %swap3A_43] : memref<1000x16xf32, #tpu.memory_space<vmem>>, vector<1000x16xf32>
    tpu.vector_store %arg9[%swap3A, %swap3A_43], %add3A_42 {strides = array<i32>} : memref<1000x16xf32, #tpu.memory_space<vmem>>, vector<1000x16xf32>,
    return
  }
  func.func @transform_0(%arg0: i32) -> (i32, i32) {
    %c0_i32 = arith.constant 0 : i32
    %c0_i32_0 = arith.constant 0 : i32
    return %arg0, %c0_i32 : i32, i32
  }
  func.func @transform_1(%arg0: i32) -> (i32, i32, i32) {
    %c0_i32 = arith.constant 0 : i32
    %c0_i32_0 = arith.constant 0 : i32
    %c0_i32_1 = arith.constant 0 : i32
    return %c0_i32, %arg0, %c0_i32_0 : i32, i32, i32
  }
  func.func @transform_2(%arg0: i32) -> (i32, i32, i32) {
    %c1_i32 = arith.constant 1 : i32
    %c0_i32 = arith.constant 0 : i32
    %c0_i32_0 = arith.constant 0 : i32
    return %c1_i32, %arg0, %c0_i32 : i32, i32, i32
  }
  func.func @transform_3(%arg0: i32) -> (i32, i32, i32) {
    %c0_i32 = arith.constant 0 : i32
    %c0_i32_0 = arith.constant 0 : i32
    %c0_i32_1 = arith.constant 0 : i32
    return %c0_i32, %arg0, %c0_i32_0 : i32, i32, i32
  }
  func.func @transform_4(%arg0: i32) -> (i32, i32, i32) {
    %c1_i32 = arith.constant 1 : i32
    %c0_i32 = arith.constant 0 : i32
    %c0_i32_0 = arith.constant 0 : i32
    return %c1_i32, %arg0, %c0_i32 : i32, i32, i32
  }
  func.func @transform_5(%arg0: i32) -> (i32, i32) {
    %c0_i32 = arith.constant 0 : i32
    %c0_i32_0 = arith.constant 0 : i32
    %c0_i32_1 = arith.constant 0 : i32
    return %c0_i32, %c0_i32_0 : i32, i32
  }
  func.func @transform_6(%arg0: i32) -> (i32, i32) {
    %c0_i32 = arith.constant 0 : i32
    %c0_i32_0 = arith.constant 0 : i32
    %c0_i32_1 = arith.constant 0 : i32
    return %c0_i32, %c0_i32_0 : i32, i32
  }
  func.func @transform_7(%arg0: i32) -> (i32, i32) {
    %c0_i32 = arith.constant 0 : i32
    %c0_i32_0 = arith.constant 0 : i32
    %c0_i32_1 = arith.constant 0 : i32
    return %c0_i32, %c0_i32_0 : i32, i32
  }
  func.func @transform_8(%arg0: i32) -> (i32, i32) {
    %c0_i32 = arith.constant 0 : i32
    %c0_i32_0 = arith.constant 0 : i32
    return %arg0, %c0_i32 : i32, i32
  }
}

</mosaic_0001>

<sc_bundles>
// kernel: kernel.10.cloned.1.call-start
scs
__scs_entry_jumppad:
0x0: {  	(pc) =	sbr.rel $0x88, $3  }
0x1: {  	(tag) =	ssettag $0x0;
	lr =	simm.s32 $0x1  }
0x2: {  	[smem:$0x3F96] =	sst lr;
	_ =	strace $0xD0000000  }
0x3: {  	_ = 	snop  }
0x4: {  	_ = 	snop  }
0x5: {  	_ = 	snop  }
0x6: {  	_ = 	snop  }
0x7: {  	_ = 	snop  }
__scs_overlays_trampoline_lowered:
0x8: {  	[smem:$0x3FA5] =	sst s0  }
0x9: {  	[smem:$0x3FA6] =	sst s1  }
0xa: {  	[smem:$0x3FA7] =	sst s2  }
0xb: {  	[smem:$0x3FA8] =	sst s3  }
0xc: {  	[smem:$0x3FA9] =	sst s4  }
0xd: {  	[smem:$0x3FAA] =	sst s5  }
0xe: {  	[smem:$0x3FAB] =	sst s6  }
0xf: {  	[smem:$0x3FAC] =	sst s7  }
0x10: {  	[smem:$0x3FAD] =	sst s8  }
0x11: {  	[smem:$0x3FAE] =	sst s9;
	s0 =	simm.s32 @!p0 $0x0  }
0x12: {  	s1 =	sld [smem:$0x3F94];
	s0 =	simm.s32 @p0 $0x1  }
0x13: {  	[smem:$0x3FAF] =	sst s0;
	s0 =	simm.s32 @!p1 $0x0  }
0x14: {  	s2 =	sld [smem:$0x3F93];
	s0 =	simm.s32 @p1 $0x1  }
0x15: {  	[smem:$0x3FB0] =	sst s0;
	s0 =	simm.s32 @!p2 $0x0  }
0x16: {  	s3 =	sld [smem:$0x3FDB];
	s0 =	simm.s32 @p2 $0x1  }
0x17: {  	s4 =	simm.s32 $0x1BF5;
	[smem:$0x3FB2] =	sst s0  }
0x18: {  	s0 =	sld [smem:$0x3F95];
	_ =	swait.ge [sflag:s4], $0x0  }
0x19: {  	s7 =	sld [smem:$0x3F96]  }
0x1a: {  	s8 =	sadd.s32 $0xFFFFE003, lr  }
0x1b: {  	s9 =	sadd.s32 $0xFFFFFEF7, lr;
	s5 =	simm.s32 $0xFFFFFFFF;
	p2 =	slt.u32 s8, $0xFFFFF086  }
0x1c: {  	p1 =	slt.u32 s9, $0xF7A;
	s5 =	simm.s32 @!p2 $0x0  }
0x1d: {  	s5 =	simm.s32 @p1 $0x1;
	p0 =	seq.s32 s7, s2  }
0x1e: {  	s7 =	smul.u32 @!p0 $0xF7A, s2;
	p2 =	seq.s32 @!p0 s5, $0x0  }
0x1f: {  	s9 =	smul.u32 $0xF7A, s1;
	s8 =	simm.s32 @!p0 $0x1BF5;
	p2 =	por !p2, p0  }
0x20: {  	[sflag:s8] =	ssyncset.s32 @!p0 $0xFFFFF086;
	s6 =	sadd.s32 @!p0 s3, s7;
	s7 =	simm.s32 @!p0 $0x108  }
0x21: {  	s3 =	sadd.s32 s3, s9;
	s6 =	sadd.s32 @!p0 $0x88, s6;
	s7 =	simm.s32 @p2 $0x1082  }
0x22: {  	[simem:s7], [sflag:s8] =	dma.local @!p0 [hbm:s6], $0xF7A  }
0x23: {  	s9 =	sor.u32 $0xD0000000, s2;
	s6 =	simm.s32 $0x108;
	_ =	swait.ge @!p0 [sflag:s8], $0x0  }
0x24: {  	s3 =	sadd.s32 $0x88, s3;
	s6 =	simm.s32 @!p1 $0x1082;
	[sflag:s4] =	ssyncset.s32 $0xFFFFF086  }
0x25: {  	[simem:s6], [sflag:s4] =	dma.local [hbm:s3], $0xF7A  }
0x26: {  	[smem:$0x3F96] =	sst s1;
	(tag) =	ssettag s2;
	_ =	strace s9  }
0x27: {  	s1 =	sld [smem:$0x3FA6]  }
0x28: {  	s2 =	sld [smem:$0x3FA7]  }
0x29: {  	s4 =	sld [smem:$0x3FA9]  }
0x2a: {  	p0 =	seq.s32 s5, $0x0;
	s5 =	sld [smem:$0x3FAA]  }
0x2b: {  	s6 =	sld [smem:$0x3FAB]  }
0x2c: {  	s7 =	sld [smem:$0x3FAC]  }
0x2d: {  	s3 =	simm.s32 $0x108;
	s8 =	sld [smem:$0x3FAD]  }
0x2e: {  	s3 =	simm.s32 @!p0 $0x1082;
	s9 =	sld [smem:$0x3FAE]  }
0x2f: {  	lr =	sadd.s32 s0, s3;
	s0 =	sld [smem:$0x3FA5]  }
0x30: {  	s3 =	sld [smem:$0x3FA8]  }
0x31: {  	[smem:$0x3FB1] =	sst s10  }
0x32: {  	s10 =	sld [smem:$0x3FAF];
	_ =	sdelay $0x3  }
0x33: {  	p0 =	seq.s32 s10, $0x1;
	s10 =	sld [smem:$0x3FB1];
	_ =	sdelay $0x3  }
0x34: {  	[smem:$0x3FB1] =	sst s10  }
0x35: {  	s10 =	sld [smem:$0x3FB0];
	_ =	sdelay $0x3  }
0x36: {  	p1 =	seq.s32 s10, $0x1;
	s10 =	sld [smem:$0x3FB1];
	_ =	sdelay $0x3  }
0x37: {  	[smem:$0x3FB1] =	sst s10  }
0x38: {  	s10 =	sld [smem:$0x3FB2]  }
0x39: {  	_ = 	snop;
	(pc) =	sbr.ind lr, $3  }
0x3a: {  	_ = 	snop  }
0x3b: {  	_ = 	snop  }
0x3c: {  	p2 =	seq.s32 s10, $0x1;
	s10 =	sld [smem:$0x3FB1]  }
0x3d: {  	_ =	shalt  }
0x3e: {  	_ =	shalt  }
0x3f: {  	_ =	shalt  }
0x40: {  	_ =	shalt  }
0x41: {  	_ =	shalt  }
0x42: {  	_ =	shalt  }
0x43: {  	_ =	shalt  }
0x44: {  	_ =	shalt  }
0x45: {  	_ =	shalt  }
0x46: {  	_ =	shalt  }
0x47: {  	_ =	shalt  }
0x48: {  	_ =	shalt  }
0x49: {  	_ =	shalt  }
0x4a: {  	_ =	shalt  }
0x4b: {  	_ =	shalt  }
0x4c: {  	_ =	shalt  }
0x4d: {  	_ =	shalt  }
0x4e: {  	_ =	shalt  }
0x4f: {  	_ =	shalt  }
0x50: {  	_ =	shalt  }
0x51: {  	_ =	shalt  }
0x52: {  	_ =	shalt  }
0x53: {  	_ =	shalt  }
0x54: {  	_ =	shalt  }
0x55: {  	_ =	shalt  }
0x56: {  	_ =	shalt  }
0x57: {  	_ =	shalt  }
0x58: {  	_ =	shalt  }
0x59: {  	_ =	shalt  }
0x5a: {  	_ =	shalt  }
0x5b: {  	_ =	shalt  }
0x5c: {  	_ =	shalt  }
0x5d: {  	_ =	shalt  }
0x5e: {  	_ =	shalt  }
0x5f: {  	_ =	shalt  }
0x60: {  	_ =	shalt  }
0x61: {  	_ =	shalt  }
0x62: {  	_ =	shalt  }
0x63: {  	_ =	shalt  }
0x64: {  	_ =	shalt  }
0x65: {  	_ =	shalt  }
0x66: {  	_ =	shalt  }
0x67: {  	_ =	shalt  }
0x68: {  	_ =	shalt  }
0x69: {  	_ =	shalt  }
0x6a: {  	_ =	shalt  }
0x6b: {  	_ =	shalt  }
0x6c: {  	_ =	shalt  }
0x6d: {  	_ =	shalt  }
0x6e: {  	_ =	shalt  }
0x6f: {  	_ =	shalt  }
0x70: {  	_ =	shalt  }
0x71: {  	_ =	shalt  }
0x72: {  	_ =	shalt  }
0x73: {  	_ =	shalt  }
0x74: {  	_ =	shalt  }
0x75: {  	_ =	shalt  }
0x76: {  	_ =	shalt  }
0x77: {  	_ =	shalt  }
0x78: {  	_ =	shalt  }
0x79: {  	_ =	shalt  }
0x7a: {  	_ =	shalt  }
0x7b: {  	_ =	shalt  }
0x7c: {  	_ =	shalt  }
0x7d: {  	_ =	shalt  }
0x7e: {  	_ =	shalt  }
0x7f: {  	_ =	shalt  }
0x80: {  	_ =	shalt  }
0x81: {  	_ =	shalt  }
0x82: {  	_ =	shalt  }
0x83: {  	_ =	shalt  }
0x84: {  	_ =	shalt  }
0x85: {  	_ =	shalt  }
0x86: {  	_ =	shalt  }
0x87: {  	_ =	shalt  }
.Lfunc_end0:
.L_simem_size_0:
called_computation_lowered:
.L_overlay_start_0:
0x88: {  	s2 =	sld [smem:$0x3FD9]  }
0x89: {  	s3 =	sld [smem:$0x3FFE];
	_ =	sdelay $0x1  }
0x8a: {  	s1 =	srdreg.scid  }
0x8b: {  	s0 =	sand.u32 $0x1, s1  }
0x8c: {  	s17 =	sshll.u32 s0, $0xA;
	s2 =	sadd.s32 s3, s2  }
0x8d: {  	s2 =	sadd.s32 s2, s17  }
0x8e: {  	[smem:$0x3FBD] =	sst s2  }
0x8f: {  	_ = 	snop  }
0x90: {  	s18 =	sld [smem:$0x3FD0];
	(tm) =	ssettm $0x1  }
0x91: {  	s19 =	sld [smem:$0x3FFB];
	_ =	sdelay $0x3  }
0x92: {  	_ =	strace s19  }
0x93: {  	s2 =	sld [smem:$0x3FFC];
	_ =	sdelay $0x3  }
0x94: {  	_ =	strace s2  }
0x95: {  	s2 =	sld [smem:$0x3FFD];
	_ =	sdelay $0x3  }
0x96: {  	_ =	strace s2  }
0x97: {  	_ =	strace $0x8FFFFFFF  }
0x98: {  	s20 =	sld [smem:$0x3FDB];
	_ =	sdelay $0x1  }
0x99: {  	s4 =	simm.s32 $_scs_section_size  }
0x9a: {  	s5 =	simm.s32 $_size__tile_overlayer_lowered;
	s6 =	simm.s32 $_tile_overlayer_lowered  }
0x9b: {  	s7 =	simm.s32 $0x1BFF;
	s21 =	sshll.u32 s6, $0x1;
	s4 =	sadd.s32 s4, s20  }
0x9c: {  	s22 =	simm.s32 $0x0;
	s5 =	sshll.u32 s5, $0x1;
	s6 =	sadd.s32 s21, s4  }
0x9d: {  	[timem:s22], [sflag:s7] =	dma.local [hbm:s6], s5  }
0x9e: {  	_ =	swait.ge [sflag:s7], s5  }
0x9f: {  	s5 =	ssub.s32 $0x0, s5;
	[sflag:s7] =	ssyncset.done $0x0  }
0xa0: {  	[sflag:s7] =	ssyncadd.s32 s5;
	_ =	sdelay $0x1  }
0xa1: {  	s23 =	simm.s32 $0x1B8B  }
0xa2: {  	_ =	swait.ge [sflag:s23], $0x1  }
0xa3: {  	[sflag:s23] =	ssyncset.done $0x0  }
0xa4: {  	[sflag:s23] =	ssyncadd.s32 $0xFFFFFFFF  }
0xa5: {  	s5 =	sld [smem:$0x0]  }
0xa6: {  	s6 =	sand.u32 $0xFFFFFFFE, s1  }
0xa7: {  	p0 =	sne.s32 s1, s6  }
0xa8: {  	s6 =	sshll.u32 @p0 s6, $0xE  }
0xa9: {  	s6 =	sadd.s32 @p0 $0x11B8D, s6;
	s7 =	sshll.u32 @p0 s5, $0x11  }
0xaa: {  	s6 =	sor.u32 @p0 s7, s6  }
0xab: {  	[sflag:s6] =	ssyncadd.remote.s32 @p0 $0x1;
	_ =	sdelay $0x1  }
0xac: {  	s6 =	simm.s32 @p0 $0x1B8D  }
0xad: {  	_ =	swait.eq @p0 [sflag:s6], $0x1  }
0xae: {  	[sflag:s6] =	ssyncadd.s32 @p0 $0xFFFFFFFF  }
0xaf: {  	s7 =	sshll.u32 @!p0 s1, $0xE  }
0xb0: {  	s7 =	sor.u32 @!p0 $0x4000, s7;
	s6 =	simm.s32 @!p0 $0x1B8D  }
0xb1: {  	s5 =	sshll.u32 @!p0 s5, $0x11;
	s7 =	sadd.s32 @!p0 $0x11B8D, s7;
	_ =	swait.eq @!p0 [sflag:s6], $0x1  }
0xb2: {  	s5 =	sor.u32 @!p0 s5, s7;
	[sflag:s6] =	ssyncadd.s32 @!p0 $0xFFFFFFFF  }
0xb3: {  	s25 =	simm.s32 $0x1B8E;
	s24 =	sld [smem:$0x3FFE];
	[sflag:s5] =	ssyncadd.remote.s32 @!p0 $0x1  }
0xb4: {  	s26 =	simm.s32 $execute0_lowered;
	[smem:$0x3FD2] =	sst s25  }
0xb5: {  	s6 =	sshll.u32 s26, $0x1;
	_ =	strace $0x80000049;
	[dreg:$0x1] =	wrdreg $0xFFFFFFFF  }
0xb6: {  	s28 =	simm.s32 $_size_execute0_lowered;
	s4 =	sadd.s32 s4, s6;
	[dreg:$0x0] =	wrdreg $0x0  }
0xb7: {  	s6 =	sshll.u32 s28, $0x1;
	[dreg:$0x2] =	wrdreg s4  }
0xb8: {  	[dreg:$0x3] =	wrdreg s6  }
0xb9: {  	[dreg:$0x4] =	wrdreg $0xC0  }
0xba: {  	_ =	task [dreg:s22], $0x5FFFF  }
0xbb: {  	[dreg:$0x1] =	wrdreg $0xFFFFFFFF  }
0xbc: {  	[dreg:$0x0] =	wrdreg $0x60  }
0xbd: {  	[dreg:$0x2] =	wrdreg s24  }
0xbe: {  	[dreg:$0x3] =	wrdreg s18  }
0xbf: {  	[dreg:$0x4] =	wrdreg $0x40800  }
0xc0: {  	[dreg:$0x5] =	wrdreg $0x9  }
0xc1: {  	_ =	task.clear_ibuf [dreg:s22], $0x6FFFF;
	_ =	strace $0x90000049  }
0xc2: {  	s29 =	simm.s32 $0x9;
	_ =	strace $0x8000004B  }
0xc3: {  	_ =	swait.ge [sflag:s29], $0x1  }
0xc4: {  	[sflag:s29] =	ssyncadd.s32 $0xFFFFFFFF  }
0xc5: {  	_ =	strace $0x9000004B  }
0xc6: {  	_ =	sfence  }
0xc7: {  	s30 =	sld [smem:$0x0];
	_ =	sdelay $0x2  }
0xc8: {  	s31 =	sshll.u32 s1, $0xD;
	s1 =	sshrl.u32 s1, $0x2  }
0xc9: {  	s4 =	sand.u32 $0x4000, s31;
	s1 =	sadd.s32 s1, s30  }
0xca: {  	s0 =	sor.u32 s4, s0;
	s1 =	sshll.u32 s1, $0x11  }
0xcb: {  	s0 =	sor.u32 s1, s0  }
0xcc: {  	s0 =	sadd.s32 $0x8F2B, s0  }
0xcd: {  	[sflag:s0] =	ssyncadd.remote.s32 $0x1  }
0xce: {  	_ =	sfence.sel $0xFFFF  }
0xcf: {  	[dreg:$0x0] =	wrdreg $0xFFFFFFFF;
	(pc) =	sbr.abs _section_cstart, $3  }
0xd0: {  	[dreg:$0x1] =	wrdreg $0xFFFFFFFF  }
0xd1: {  	_ =	task.clear_ibuf [dreg:s22], $0x2FFFF;
	_ =	strace $0x9FFFFFFF  }
0xd2: {  	(tm) =	ssettm $0x7FFFFFFF  }
0xd3: {  	_ =	shalt  }
tec
execute0_lowered:
.L_overlay_start_1:
0x0: {  	(tag) =	ssettag $0x1  }
0x1: {  	s5 =	rddreg [dreg:$0x0]  }
0x2: {  	s1 =	rddreg [dreg:$0x1];
	s2 =	stileid.u32  }
0x3: {  	s0 =	srdreg.scid;
	s8 =	smul.u32 $0x14000, s2  }
0x4: {  	s3 =	rddreg [dreg:$0x2];
	s26 =	smul.u32 $0x50000, s2  }
0x5: {  	s4 =	simm.s32 $0x0;
	s6 =	sand.u32 $0x1, s0;
	s30 =	smul.u32 $0x4F0, s2  }
0x6: {  	s13 =	simm.s32 $0x0;
	s0 =	rddreg [dreg:$0x3];
	s7 =	smul.u32 $0x4F00, s6  }
0x7: {  	[smem:$0x7FF] =	sst s4;
	s31 =	sshll.u32 s2, $0x6;
	s9 =	smul.u32 $0x140000, s6  }
0x8: {  	_ =	strace $0x8000004A;
	s6 =	ssub.s32 $0x2, s6;
	s25 =	sshrl.u32 s8, $0x3  }
0x9: {  	s28 =	sshrl.u32 s6, $0x1;
	s29 =	sshrl.u32 s26, $0x2;
	s10 =	sadd.s32 s7, s5  }
0xa: {  	s8 =	sadd.s32 s8, s9;
	s7 =	sadd.s32 s25, s5;
	s11 =	ssub.s32 s6, s28  }
0xb: {  	s12 =	sadd.s32 s29, s3;
	s6 =	sor.u32 $0x1C01, s31;
	s8 =	sshrl.u32 s8, $0x3  }
0xc: {  	s9 =	sadd.s32 s30, s10;
	s10 =	sshrl.u32 s12, $0x3;
	s12 =	simm.s32 $0x80  }
0xd: {  	s8 =	sadd.s32 s8, s5;
	s5 =	sadd.s32 $0x3D800, s7;
	s9 =	sadd.s32 $0x33A00, s9  }
0xe: {  	s7 =	sadd.s32 $0xB5800, s8;
	s8 =	smax.u32 s11, $0x1;
	s11 =	simm.s32 $0x1  }
.LBB2_1:
0xf: {  	[spmem:s10], [sflag:s6] =	dma.local [hbm:s5], $0x2800  }
0x10: {  	_ =	swait.ge [sflag:s11], $0x2800  }
0x11: {  	[sflag:s11] =	ssyncset.done $0x0  }
0x12: {  	[sflag:s11] =	ssyncadd.s32 $0xFFFFD800  }
0x13: {  	[tilespmem:s12], [sflag:$0x1] =	stream.linear.gather [hbm4b:s1+s4], $0x4000, $0x38;
	[tilespmem:$0x18080] =	vst v63  }
0x14: {  	_ =	swait.ge [sflag:s11], $0x4000  }
0x15: {  	[sflag:s11] =	ssyncset.done $0x0  }
0x16: {  	[sflag:s11] =	ssyncadd.s32 $0xFFFFC000  }
0x17: {  	s14 =	sadd.s32 $0x0, s9;
	[bflag:$0x0] =	sbarrier.arrive $0xFFFF  }
0x18: {  	[tilespmem:s4], [sflag:$0x1] =	stream.linear.gather [hbm4b:s14+s4], $0x80, $0x38;
	[tilespmem:$0x18080] =	vst v63  }
0x19: {  	_ =	swait.ge [sflag:s11], $0x80  }
0x1a: {  	[sflag:s11] =	ssyncset.done $0x0  }
0x1b: {  	[sflag:s11] =	ssyncadd.s32 $0xFFFFFF80  }
0x1c: {  	[spmem:s3] =	stream.indirect.scatter.add.f32 [tilespmem:s12], [sflag:$0x1], $0x80, s4, s12, $0xb8;
	[tilespmem:$0x18080] =	vst v63  }
0x1d: {  	_ =	swait.ge [sflag:s11], $0x4000  }
0x1e: {  	s15 =	simm.s32 $0x20;
	s14 =	simm.s32 $0x10;
	[sflag:s11] =	ssyncset.done $0x0  }
.LBB2_2:
0x1f: {  	s16 =	sadd.s32 s14, s9  }
0x20: {  	[sflag:s11] =	ssyncadd.s32 $0xFFFFC000;
	s14 =	smov.u32 s15;
	s17 =	sadd.s32 $0x10, s15  }
0x21: {  	[tilespmem:s4], [sflag:$0x1] =	stream.linear.gather [hbm4b:s16+s4], $0x80, $0x38;
	[tilespmem:$0x18080] =	vst v63  }
0x22: {  	p0 =	sne.s32 s15, $0x4E0;
	_ =	swait.ge [sflag:s11], $0x80  }
.Ltmp0:
0x23: {  	[sflag:s11] =	ssyncset.done $0x0;
	(pc) =	sbr.rel @p0 .LBB2_2-.Ltmp0, $4  }
0x24: {  	[sflag:s11] =	ssyncadd.s32 $0xFFFFFF80  }
0x25: {  	[spmem:s3] =	stream.indirect.scatter.add.f32 [tilespmem:s12], [sflag:$0x1], $0x80, s4, s12, $0xb8;
	[tilespmem:$0x18080] =	vst v63  }
0x26: {  	_ =	swait.ge [sflag:s11], $0x4000  }
0x27: {  	s15 =	smov.u32 s17;
	[sflag:s11] =	ssyncset.done $0x0  }
0x28: {  	s14 =	sadd.s32 s14, s9;
	[sflag:s11] =	ssyncadd.s32 $0xFFFFC000  }
0x29: {  	[tilespmem:s4], [sflag:$0x1] =	stream.linear.gather [hbm4b:s14+s4], $0x80, $0x38;
	[tilespmem:$0x18080] =	vst v63  }
0x2a: {  	_ =	swait.ge [sflag:s11], $0x80  }
0x2b: {  	[sflag:s11] =	ssyncset.done $0x0  }
0x2c: {  	[sflag:s11] =	ssyncadd.s32 $0xFFFFFF80  }
0x2d: {  	[spmem:s3] =	stream.indirect.scatter.add.f32 [tilespmem:s12], [sflag:$0x1], $0x80, s4, s12, $0xb8;
	[tilespmem:$0x18080] =	vst v63  }
0x2e: {  	_ =	swait.ge [sflag:s11], $0x4000  }
0x2f: {  	s13 =	sadd.s32 $0x1, s13;
	[sflag:s11] =	ssyncset.done $0x0  }
0x30: {  	p0 =	sne.s32 s13, s8;
	[sflag:s11] =	ssyncadd.s32 $0xFFFFC000  }
.Ltmp1:
0x31: {  	[bflag:$0x0] =	sbarrier.arrive $0xFFFF;
	(pc) =	sbr.rel @p0 .LBB2_1-.Ltmp1, $4  }
0x32: {  	[hbm:s7], [sflag:s6] =	dma.local [spmem:s10], $0x2800  }
0x33: {  	_ =	swait.ge [sflag:s11], $0x2800  }
0x34: {  	[sflag:s11] =	ssyncset.done $0x0  }
0x35: {  	[sflag:s11] =	ssyncadd.s32 $0xFFFFD800  }
0x36: {  	_ =	sfence.sel $0x180000  }
0x37: {  	[bflag:$0x0] =	sbarrier.arrive $0xFFFF  }
0x38: {  	p0 =	sne.s32 s2, $0x0;
	_ =	strace $0x9000004A  }
0x39: {  	s0 =	sadd.s32 @!p0 $0x100000, s0;
	[bflag:$0x2] =	sbarrier.arrive $0xFFFF  }
0x3a: {  	[sflag:s0] =	ssyncadd.tile.s32 @!p0 $0x1;
	_ =	shalt  }
.Lfunc_end2:
_tile_overlayer_lowered:
.L_overlay_start_2:
0x3b: {  	(tag) =	ssettag $0x2  }
0x3c: {  	s0 =	rddreg [dreg:$0x0];
	s2 =	stileid.u32  }
0x3d: {  	s1 =	rddreg [dreg:$0x1];
	p0 =	sne.s32 s2, $0x0  }
0x3e: {  	s3 =	rddreg [dreg:$0x2];
	[bflag:$0x3] =	sbarrier.arrive $0xFFFF;
	s2 =	simm.s32 @!p0 $0x1C01  }
0x3f: {  	[timem:s3], [sflag:s2] =	dma.local @!p0 [hbm:s0], s1  }
0x40: {  	s0 =	simm.s32 @!p0 $0x1  }
0x41: {  	_ =	swait.ge @!p0 [sflag:s0], s1  }
0x42: {  	s1 =	ssub.s32 @!p0 $0x0, s1;
	[sflag:s0] =	ssyncset.done @!p0 $0x0  }
0x43: {  	[sflag:s0] =	ssyncadd.s32 @!p0 s1  }
0x44: {  	[bflag:$0x3] =	sbarrier.arrive $0xFFFF  }
0x45: {  	_ =	shalt  }

// kernel: kernel.13.cloned.1.call-start
scs
__scs_entry_jumppad:
0x0: {  	(pc) =	sbr.rel $0x88, $3  }
0x1: {  	(tag) =	ssettag $0x0;
	lr =	simm.s32 $0x1  }
0x2: {  	[smem:$0x3F96] =	sst lr;
	_ =	strace $0xD0000000  }
0x3: {  	_ = 	snop  }
0x4: {  	_ = 	snop  }
0x5: {  	_ = 	snop  }
0x6: {  	_ = 	snop  }
0x7: {  	_ = 	snop  }
__scs_overlays_trampoline_lowered:
0x8: {  	[smem:$0x3FA5] =	sst s0  }
0x9: {  	[smem:$0x3FA6] =	sst s1  }
0xa: {  	[smem:$0x3FA7] =	sst s2  }
0xb: {  	[smem:$0x3FA8] =	sst s3  }
0xc: {  	[smem:$0x3FA9] =	sst s4  }
0xd: {  	[smem:$0x3FAA] =	sst s5  }
0xe: {  	[smem:$0x3FAB] =	sst s6  }
0xf: {  	[smem:$0x3FAC] =	sst s7  }
0x10: {  	[smem:$0x3FAD] =	sst s8  }
0x11: {  	[smem:$0x3FAE] =	sst s9;
	s0 =	simm.s32 @!p0 $0x0  }
0x12: {  	s1 =	sld [smem:$0x3F94];
	s0 =	simm.s32 @p0 $0x1  }
0x13: {  	[smem:$0x3FAF] =	sst s0;
	s0 =	simm.s32 @!p1 $0x0  }
0x14: {  	s2 =	sld [smem:$0x3F93];
	s0 =	simm.s32 @p1 $0x1  }
0x15: {  	[smem:$0x3FB0] =	sst s0;
	s0 =	simm.s32 @!p2 $0x0  }
0x16: {  	s3 =	sld [smem:$0x3FDB];
	s0 =	simm.s32 @p2 $0x1  }
0x17: {  	s4 =	simm.s32 $0x1BF5;
	[smem:$0x3FB2] =	sst s0  }
0x18: {  	s0 =	sld [smem:$0x3F95];
	_ =	swait.ge [sflag:s4], $0x0  }
0x19: {  	s7 =	sld [smem:$0x3F96]  }
0x1a: {  	s8 =	sadd.s32 $0xFFFFE003, lr  }
0x1b: {  	s9 =	sadd.s32 $0xFFFFFEF7, lr;
	s5 =	simm.s32 $0xFFFFFFFF;
	p2 =	slt.u32 s8, $0xFFFFF086  }
0x1c: {  	p1 =	slt.u32 s9, $0xF7A;
	s5 =	simm.s32 @!p2 $0x0  }
0x1d: {  	s5 =	simm.s32 @p1 $0x1;
	p0 =	seq.s32 s7, s2  }
0x1e: {  	s7 =	smul.u32 @!p0 $0xF7A, s2;
	p2 =	seq.s32 @!p0 s5, $0x0  }
0x1f: {  	s9 =	smul.u32 $0xF7A, s1;
	s8 =	simm.s32 @!p0 $0x1BF5;
	p2 =	por !p2, p0  }
0x20: {  	[sflag:s8] =	ssyncset.s32 @!p0 $0xFFFFF086;
	s6 =	sadd.s32 @!p0 s3, s7;
	s7 =	simm.s32 @!p0 $0x108  }
0x21: {  	s3 =	sadd.s32 s3, s9;
	s6 =	sadd.s32 @!p0 $0x88, s6;
	s7 =	simm.s32 @p2 $0x1082  }
0x22: {  	[simem:s7], [sflag:s8] =	dma.local @!p0 [hbm:s6], $0xF7A  }
0x23: {  	s9 =	sor.u32 $0xD0000000, s2;
	s6 =	simm.s32 $0x108;
	_ =	swait.ge @!p0 [sflag:s8], $0x0  }
0x24: {  	s3 =	sadd.s32 $0x88, s3;
	s6 =	simm.s32 @!p1 $0x1082;
	[sflag:s4] =	ssyncset.s32 $0xFFFFF086  }
0x25: {  	[simem:s6], [sflag:s4] =	dma.local [hbm:s3], $0xF7A  }
0x26: {  	[smem:$0x3F96] =	sst s1;
	(tag) =	ssettag s2;
	_ =	strace s9  }
0x27: {  	s1 =	sld [smem:$0x3FA6]  }
0x28: {  	s2 =	sld [smem:$0x3FA7]  }
0x29: {  	s4 =	sld [smem:$0x3FA9]  }
0x2a: {  	p0 =	seq.s32 s5, $0x0;
	s5 =	sld [smem:$0x3FAA]  }
0x2b: {  	s6 =	sld [smem:$0x3FAB]  }
0x2c: {  	s7 =	sld [smem:$0x3FAC]  }
0x2d: {  	s3 =	simm.s32 $0x108;
	s8 =	sld [smem:$0x3FAD]  }
0x2e: {  	s3 =	simm.s32 @!p0 $0x1082;
	s9 =	sld [smem:$0x3FAE]  }
0x2f: {  	lr =	sadd.s32 s0, s3;
	s0 =	sld [smem:$0x3FA5]  }
0x30: {  	s3 =	sld [smem:$0x3FA8]  }
0x31: {  	[smem:$0x3FB1] =	sst s10  }
0x32: {  	s10 =	sld [smem:$0x3FAF];
	_ =	sdelay $0x3  }
0x33: {  	p0 =	seq.s32 s10, $0x1;
	s10 =	sld [smem:$0x3FB1];
	_ =	sdelay $0x3  }
0x34: {  	[smem:$0x3FB1] =	sst s10  }
0x35: {  	s10 =	sld [smem:$0x3FB0];
	_ =	sdelay $0x3  }
0x36: {  	p1 =	seq.s32 s10, $0x1;
	s10 =	sld [smem:$0x3FB1];
	_ =	sdelay $0x3  }
0x37: {  	[smem:$0x3FB1] =	sst s10  }
0x38: {  	s10 =	sld [smem:$0x3FB2]  }
0x39: {  	_ = 	snop;
	(pc) =	sbr.ind lr, $3  }
0x3a: {  	_ = 	snop  }
0x3b: {  	_ = 	snop  }
0x3c: {  	p2 =	seq.s32 s10, $0x1;
	s10 =	sld [smem:$0x3FB1]  }
0x3d: {  	_ =	shalt  }
0x3e: {  	_ =	shalt  }
0x3f: {  	_ =	shalt  }
0x40: {  	_ =	shalt  }
0x41: {  	_ =	shalt  }
0x42: {  	_ =	shalt  }
0x43: {  	_ =	shalt  }
0x44: {  	_ =	shalt  }
0x45: {  	_ =	shalt  }
0x46: {  	_ =	shalt  }
0x47: {  	_ =	shalt  }
0x48: {  	_ =	shalt  }
0x49: {  	_ =	shalt  }
0x4a: {  	_ =	shalt  }
0x4b: {  	_ =	shalt  }
0x4c: {  	_ =	shalt  }
0x4d: {  	_ =	shalt  }
0x4e: {  	_ =	shalt  }
0x4f: {  	_ =	shalt  }
0x50: {  	_ =	shalt  }
0x51: {  	_ =	shalt  }
0x52: {  	_ =	shalt  }
0x53: {  	_ =	shalt  }
0x54: {  	_ =	shalt  }
0x55: {  	_ =	shalt  }
0x56: {  	_ =	shalt  }
0x57: {  	_ =	shalt  }
0x58: {  	_ =	shalt  }
0x59: {  	_ =	shalt  }
0x5a: {  	_ =	shalt  }
0x5b: {  	_ =	shalt  }
0x5c: {  	_ =	shalt  }
0x5d: {  	_ =	shalt  }
0x5e: {  	_ =	shalt  }
0x5f: {  	_ =	shalt  }
0x60: {  	_ =	shalt  }
0x61: {  	_ =	shalt  }
0x62: {  	_ =	shalt  }
0x63: {  	_ =	shalt  }
0x64: {  	_ =	shalt  }
0x65: {  	_ =	shalt  }
0x66: {  	_ =	shalt  }
0x67: {  	_ =	shalt  }
0x68: {  	_ =	shalt  }
0x69: {  	_ =	shalt  }
0x6a: {  	_ =	shalt  }
0x6b: {  	_ =	shalt  }
0x6c: {  	_ =	shalt  }
0x6d: {  	_ =	shalt  }
0x6e: {  	_ =	shalt  }
0x6f: {  	_ =	shalt  }
0x70: {  	_ =	shalt  }
0x71: {  	_ =	shalt  }
0x72: {  	_ =	shalt  }
0x73: {  	_ =	shalt  }
0x74: {  	_ =	shalt  }
0x75: {  	_ =	shalt  }
0x76: {  	_ =	shalt  }
0x77: {  	_ =	shalt  }
0x78: {  	_ =	shalt  }
0x79: {  	_ =	shalt  }
0x7a: {  	_ =	shalt  }
0x7b: {  	_ =	shalt  }
0x7c: {  	_ =	shalt  }
0x7d: {  	_ =	shalt  }
0x7e: {  	_ =	shalt  }
0x7f: {  	_ =	shalt  }
0x80: {  	_ =	shalt  }
0x81: {  	_ =	shalt  }
0x82: {  	_ =	shalt  }
0x83: {  	_ =	shalt  }
0x84: {  	_ =	shalt  }
0x85: {  	_ =	shalt  }
0x86: {  	_ =	shalt  }
0x87: {  	_ =	shalt  }
.Lfunc_end0:
.L_simem_size_0:
called_computation.1_lowered:
.L_overlay_start_0:
0x88: {  	s2 =	sld [smem:$0x3FD9]  }
0x89: {  	s3 =	sld [smem:$0x3FFE];
	_ =	sdelay $0x1  }
0x8a: {  	s1 =	srdreg.scid  }
0x8b: {  	s0 =	sand.u32 $0x1, s1  }
0x8c: {  	s16 =	sshll.u32 s0, $0xA;
	s2 =	sadd.s32 s3, s2  }
0x8d: {  	s2 =	sadd.s32 s2, s16  }
0x8e: {  	[smem:$0x3FBD] =	sst s2  }
0x8f: {  	_ = 	snop  }
0x90: {  	(tm) =	ssettm $0x1  }
0x91: {  	s17 =	sld [smem:$0x3FFB];
	_ =	sdelay $0x3  }
0x92: {  	_ =	strace s17  }
0x93: {  	s2 =	sld [smem:$0x3FFC];
	_ =	sdelay $0x3  }
0x94: {  	_ =	strace s2  }
0x95: {  	s2 =	sld [smem:$0x3FFD];
	_ =	sdelay $0x3  }
0x96: {  	_ =	strace s2  }
0x97: {  	_ =	strace $0x8FFFFFFF  }
0x98: {  	s18 =	sld [smem:$0x3FDB];
	_ =	sdelay $0x1  }
0x99: {  	s19 =	simm.s32 $_scs_section_size  }
0x9a: {  	s4 =	simm.s32 $_size__tile_overlayer_lowered;
	s5 =	simm.s32 $_tile_overlayer_lowered  }
0x9b: {  	s22 =	simm.s32 $0x1BFF;
	s21 =	sshll.u32 s5, $0x1;
	s2 =	sadd.s32 s19, s18  }
0x9c: {  	s6 =	simm.s32 $0x0;
	s20 =	sshll.u32 s4, $0x1;
	s4 =	sadd.s32 s21, s2  }
0x9d: {  	[timem:s6], [sflag:s22] =	dma.local [hbm:s4], s20  }
0x9e: {  	_ =	swait.ge [sflag:s22], s20  }
0x9f: {  	s3 =	ssub.s32 $0x0, s20;
	[sflag:s22] =	ssyncset.done $0x0  }
0xa0: {  	[sflag:s22] =	ssyncadd.s32 s3;
	_ =	sdelay $0x1  }
0xa1: {  	s23 =	simm.s32 $0x1B8B  }
0xa2: {  	_ =	swait.ge [sflag:s23], $0x1  }
0xa3: {  	[sflag:s23] =	ssyncset.done $0x0  }
0xa4: {  	s25 =	simm.s32 $0x1B8E;
	s24 =	sld [smem:$0x3FFE];
	[sflag:s23] =	ssyncadd.s32 $0xFFFFFFFF  }
0xa5: {  	s26 =	simm.s32 $execute0_lowered;
	[smem:$0x3FD2] =	sst s25  }
0xa6: {  	s4 =	sshll.u32 s26, $0x1;
	_ =	strace $0x80000046;
	[dreg:$0x1] =	wrdreg $0xFFFFFFFF  }
0xa7: {  	s28 =	simm.s32 $_size_execute0_lowered;
	s2 =	sadd.s32 s2, s4;
	[dreg:$0x0] =	wrdreg $0x0  }
0xa8: {  	s4 =	sshll.u32 s28, $0x1;
	[dreg:$0x2] =	wrdreg s2  }
0xa9: {  	[dreg:$0x3] =	wrdreg s4  }
0xaa: {  	[dreg:$0x4] =	wrdreg $0xC0  }
0xab: {  	_ =	task [dreg:s6], $0x5FFFF  }
0xac: {  	[dreg:$0x1] =	wrdreg $0xFFFFFFFF  }
0xad: {  	[dreg:$0x0] =	wrdreg $0x60  }
0xae: {  	[dreg:$0x2] =	wrdreg s24  }
0xaf: {  	[dreg:$0x3] =	wrdreg $0x41000  }
0xb0: {  	[dreg:$0x4] =	wrdreg $0xA  }
0xb1: {  	_ =	task.clear_ibuf [dreg:s6], $0x5FFFF;
	_ =	strace $0x90000046  }
0xb2: {  	s29 =	simm.s32 $0xA;
	_ =	strace $0x80000048  }
0xb3: {  	_ =	swait.ge [sflag:s29], $0x1  }
0xb4: {  	[sflag:s29] =	ssyncadd.s32 $0xFFFFFFFF  }
0xb5: {  	_ =	strace $0x90000048  }
0xb6: {  	_ =	sfence  }
0xb7: {  	s30 =	sld [smem:$0x0];
	_ =	sdelay $0x2  }
0xb8: {  	s31 =	sshll.u32 s1, $0xD;
	s1 =	sshrl.u32 s1, $0x2  }
0xb9: {  	s3 =	sand.u32 $0x4000, s31;
	s1 =	sadd.s32 s1, s30  }
0xba: {  	s0 =	sor.u32 s3, s0;
	s1 =	sshll.u32 s1, $0x11  }
0xbb: {  	s0 =	sor.u32 s1, s0  }
0xbc: {  	s0 =	sadd.s32 $0x8F2B, s0  }
0xbd: {  	[sflag:s0] =	ssyncadd.remote.s32 $0x1  }
0xbe: {  	_ =	sfence.sel $0xFFFF  }
0xbf: {  	[dreg:$0x0] =	wrdreg $0xFFFFFFFF;
	(pc) =	sbr.abs _section_cstart, $3  }
0xc0: {  	[dreg:$0x1] =	wrdreg $0xFFFFFFFF  }
0xc1: {  	_ =	task.clear_ibuf [dreg:s6], $0x2FFFF;
	_ =	strace $0x9FFFFFFF  }
0xc2: {  	(tm) =	ssettm $0x7FFFFFFF  }
0xc3: {  	_ =	shalt  }
tec
execute0_lowered:
.L_overlay_start_1:
0x0: {  	(tag) =	ssettag $0x1  }
0x1: {  	s5 =	rddreg [dreg:$0x0];
	s0 =	srdreg.scid  }
0x2: {  	s2 =	rddreg [dreg:$0x1];
	s1 =	stileid.u32  }
0x3: {  	s3 =	simm.s32 $0x0;
	s13 =	simm.s32 $0x80;
	s8 =	smul.u32 $0x14000, s1  }
0x4: {  	s14 =	simm.s32 $0x100;
	s15 =	simm.s32 $0x1;
	s26 =	smul.u32 $0x50000, s1  }
0x5: {  	s6 =	sand.u32 $0x1, s0;
	s0 =	rddreg [dreg:$0x2];
	s30 =	smul.u32 $0x4F0, s1  }
0x6: {  	s16 =	simm.s32 $0x0;
	[smem:$0x7FF] =	sst s3;
	s7 =	smul.u32 $0x4F00, s6  }
0x7: {  	s4 =	sadd.s32 $0x2A00, s5;
	s31 =	sshll.u32 s1, $0x6;
	s9 =	smul.u32 $0x140000, s6  }
0x8: {  	_ =	strace $0x80000047;
	s6 =	ssub.s32 $0x2, s6;
	s25 =	sshrl.u32 s8, $0x3  }
0x9: {  	s28 =	sshrl.u32 s6, $0x1;
	s29 =	sshrl.u32 s26, $0x2;
	s10 =	sadd.s32 s7, s5  }
0xa: {  	s8 =	sadd.s32 s8, s9;
	s7 =	sadd.s32 s25, s5;
	s11 =	ssub.s32 s6, s28  }
0xb: {  	s12 =	sadd.s32 s29, s2;
	s6 =	sor.u32 $0x1C02, s31;
	s8 =	sshrl.u32 s8, $0x3  }
0xc: {  	s10 =	sadd.s32 s30, s10;
	s8 =	sadd.s32 s8, s5;
	s5 =	sadd.s32 $0x3D800, s7  }
0xd: {  	s9 =	sadd.s32 $0x33A00, s10;
	s10 =	sadd.s32 $0x29C00, s10;
	s7 =	sadd.s32 $0x65800, s8  }
0xe: {  	s8 =	smax.u32 s11, $0x1;
	s11 =	sshrl.u32 s12, $0x3;
	s12 =	simm.s32 $0x2  }
.LBB2_1:
0xf: {  	[spmem:s11], [sflag:s6] =	dma.local [hbm:s5], $0x2800  }
0x10: {  	_ =	swait.ge [sflag:s12], $0x2800  }
0x11: {  	[sflag:s12] =	ssyncset.done $0x0  }
0x12: {  	[sflag:s12] =	ssyncadd.s32 $0xFFFFD800  }
0x13: {  	s17 =	sadd.s32 $0x0, s10;
	[bflag:$0x0] =	sbarrier.arrive $0xFFFF  }
0x14: {  	[tilespmem:s3], [sflag:$0x2] =	stream.linear.gather [hbm4b:s17+s3], $0x80, $0x38;
	[tilespmem:$0x18100] =	vst v63  }
0x15: {  	_ =	swait.ge [sflag:s12], $0x80  }
0x16: {  	[sflag:s12] =	ssyncset.done $0x0  }
0x17: {  	s31 =	sadd.s32 $0x0, s9;
	[sflag:s12] =	ssyncadd.s32 $0xFFFFFF80  }
0x18: {  	[tilespmem:s13], [sflag:$0x2] =	stream.linear.gather [hbm4b:s31+s3], $0x80, $0x38;
	[tilespmem:$0x18100] =	vst v63  }
0x19: {  	_ =	swait.ge [sflag:s12], $0x80  }
0x1a: {  	[sflag:s12] =	ssyncset.done $0x0  }
0x1b: {  	[sflag:s12] =	ssyncadd.s32 $0xFFFFFF80  }
0x1c: {  	[tilespmem:s14], [sflag:$0x1] =	stream.indirect.gather [hbm4b:s4+s13], $0x80, s3, s13, $0xb8;
	[tilespmem:$0x18100] =	vst v63  }
0x1d: {  	_ =	swait.ge [sflag:s15], $0x4000  }
0x1e: {  	[sflag:s15] =	ssyncset.done $0x0  }
0x1f: {  	[sflag:s15] =	ssyncadd.s32 $0xFFFFC000  }
0x20: {  	[spmem:s2] =	stream.indirect.scatter.add.f32 [tilespmem:s14], [sflag:$0x2], $0x80, s13, s13, $0xb8;
	[tilespmem:$0x18100] =	vst v63  }
0x21: {  	_ =	swait.ge [sflag:s12], $0x4000  }
0x22: {  	s18 =	simm.s32 $0x20;
	s17 =	simm.s32 $0x10;
	[sflag:s12] =	ssyncset.done $0x0  }
.LBB2_2:
0x23: {  	s19 =	sadd.s32 s17, s10  }
0x24: {  	[sflag:s12] =	ssyncadd.s32 $0xFFFFC000;
	s20 =	smov.u32 s18;
	s21 =	sadd.s32 $0x10, s18  }
0x25: {  	[tilespmem:s3], [sflag:$0x2] =	stream.linear.gather [hbm4b:s19+s3], $0x80, $0x38;
	[tilespmem:$0x18100] =	vst v63  }
0x26: {  	p0 =	sne.s32 s18, $0x4E0;
	_ =	swait.ge [sflag:s12], $0x80  }
0x27: {  	[sflag:s12] =	ssyncset.done $0x0  }
0x28: {  	s18 =	sadd.s32 s17, s9;
	s17 =	smov.u32 s20;
	[sflag:s12] =	ssyncadd.s32 $0xFFFFFF80  }
0x29: {  	[tilespmem:s13], [sflag:$0x2] =	stream.linear.gather [hbm4b:s18+s3], $0x80, $0x38;
	[tilespmem:$0x18100] =	vst v63  }
0x2a: {  	_ =	swait.ge [sflag:s12], $0x80  }
0x2b: {  	[sflag:s12] =	ssyncset.done $0x0  }
0x2c: {  	[sflag:s12] =	ssyncadd.s32 $0xFFFFFF80  }
0x2d: {  	[tilespmem:s14], [sflag:$0x1] =	stream.indirect.gather [hbm4b:s4+s13], $0x80, s3, s13, $0xb8;
	[tilespmem:$0x18100] =	vst v63  }
0x2e: {  	_ =	swait.ge [sflag:s15], $0x4000  }
.Ltmp0:
0x2f: {  	[sflag:s15] =	ssyncset.done $0x0;
	(pc) =	sbr.rel @p0 .LBB2_2-.Ltmp0, $4  }
0x30: {  	[sflag:s15] =	ssyncadd.s32 $0xFFFFC000  }
0x31: {  	[spmem:s2] =	stream.indirect.scatter.add.f32 [tilespmem:s14], [sflag:$0x2], $0x80, s13, s13, $0xb8;
	[tilespmem:$0x18100] =	vst v63  }
0x32: {  	_ =	swait.ge [sflag:s12], $0x4000  }
0x33: {  	s18 =	smov.u32 s21;
	[sflag:s12] =	ssyncset.done $0x0  }
0x34: {  	s18 =	sadd.s32 s17, s10;
	[sflag:s12] =	ssyncadd.s32 $0xFFFFC000  }
0x35: {  	[tilespmem:s3], [sflag:$0x2] =	stream.linear.gather [hbm4b:s18+s3], $0x80, $0x38;
	[tilespmem:$0x18100] =	vst v63  }
0x36: {  	_ =	swait.ge [sflag:s12], $0x80  }
0x37: {  	[sflag:s12] =	ssyncset.done $0x0  }
0x38: {  	s31 =	sadd.s32 s17, s9;
	[sflag:s12] =	ssyncadd.s32 $0xFFFFFF80  }
0x39: {  	[tilespmem:s13], [sflag:$0x2] =	stream.linear.gather [hbm4b:s31+s3], $0x80, $0x38;
	[tilespmem:$0x18100] =	vst v63  }
0x3a: {  	_ =	swait.ge [sflag:s12], $0x80  }
0x3b: {  	[sflag:s12] =	ssyncset.done $0x0  }
0x3c: {  	[sflag:s12] =	ssyncadd.s32 $0xFFFFFF80  }
0x3d: {  	[tilespmem:s14], [sflag:$0x1] =	stream.indirect.gather [hbm4b:s4+s13], $0x80, s3, s13, $0xb8;
	[tilespmem:$0x18100] =	vst v63  }
0x3e: {  	_ =	swait.ge [sflag:s15], $0x4000  }
0x3f: {  	[sflag:s15] =	ssyncset.done $0x0  }
0x40: {  	[sflag:s15] =	ssyncadd.s32 $0xFFFFC000  }
0x41: {  	[spmem:s2] =	stream.indirect.scatter.add.f32 [tilespmem:s14], [sflag:$0x2], $0x80, s13, s13, $0xb8;
	[tilespmem:$0x18100] =	vst v63  }
0x42: {  	_ =	swait.ge [sflag:s12], $0x4000  }
0x43: {  	s16 =	sadd.s32 $0x1, s16;
	[sflag:s12] =	ssyncset.done $0x0  }
0x44: {  	p0 =	sne.s32 s16, s8;
	[sflag:s12] =	ssyncadd.s32 $0xFFFFC000  }
.Ltmp1:
0x45: {  	[bflag:$0x0] =	sbarrier.arrive $0xFFFF;
	(pc) =	sbr.rel @p0 .LBB2_1-.Ltmp1, $4  }
0x46: {  	[hbm:s7], [sflag:s6] =	dma.local [spmem:s11], $0x2800  }
0x47: {  	_ =	swait.ge [sflag:s12], $0x2800  }
0x48: {  	[sflag:s12] =	ssyncset.done $0x0  }
0x49: {  	[sflag:s12] =	ssyncadd.s32 $0xFFFFD800  }
0x4a: {  	_ =	sfence.sel $0x180000  }
0x4b: {  	[bflag:$0x0] =	sbarrier.arrive $0xFFFF  }
0x4c: {  	p0 =	sne.s32 s1, $0x0;
	_ =	strace $0x90000047  }
0x4d: {  	s0 =	sadd.s32 @!p0 $0x100000, s0;
	[bflag:$0x2] =	sbarrier.arrive $0xFFFF  }
0x4e: {  	[sflag:s0] =	ssyncadd.tile.s32 @!p0 $0x1;
	_ =	shalt  }
.Lfunc_end2:
_tile_overlayer_lowered:
.L_overlay_start_2:
0x4f: {  	(tag) =	ssettag $0x2  }
0x50: {  	s0 =	rddreg [dreg:$0x0];
	s2 =	stileid.u32  }
0x51: {  	s1 =	rddreg [dreg:$0x1];
	p0 =	sne.s32 s2, $0x0  }
0x52: {  	s3 =	rddreg [dreg:$0x2];
	[bflag:$0x3] =	sbarrier.arrive $0xFFFF;
	s2 =	simm.s32 @!p0 $0x1C02  }
0x53: {  	[timem:s3], [sflag:s2] =	dma.local @!p0 [hbm:s0], s1  }
0x54: {  	s0 =	simm.s32 @!p0 $0x2  }
0x55: {  	_ =	swait.ge @!p0 [sflag:s0], s1  }
0x56: {  	s1 =	ssub.s32 @!p0 $0x0, s1;
	[sflag:s0] =	ssyncset.done @!p0 $0x0  }
0x57: {  	[sflag:s0] =	ssyncadd.s32 @!p0 s1  }
0x58: {  	[bflag:$0x3] =	sbarrier.arrive $0xFFFF  }
0x59: {  	_ =	shalt  }

// kernel: kernel.16.cloned.1.call-start
scs
__scs_entry_jumppad:
0x0: {  	(pc) =	sbr.rel $0x88, $3  }
0x1: {  	(tag) =	ssettag $0x0;
	lr =	simm.s32 $0x1  }
0x2: {  	[smem:$0x3F96] =	sst lr;
	_ =	strace $0xD0000000  }
0x3: {  	_ = 	snop  }
0x4: {  	_ = 	snop  }
0x5: {  	_ = 	snop  }
0x6: {  	_ = 	snop  }
0x7: {  	_ = 	snop  }
__scs_overlays_trampoline_lowered:
0x8: {  	[smem:$0x3FA5] =	sst s0  }
0x9: {  	[smem:$0x3FA6] =	sst s1  }
0xa: {  	[smem:$0x3FA7] =	sst s2  }
0xb: {  	[smem:$0x3FA8] =	sst s3  }
0xc: {  	[smem:$0x3FA9] =	sst s4  }
0xd: {  	[smem:$0x3FAA] =	sst s5  }
0xe: {  	[smem:$0x3FAB] =	sst s6  }
0xf: {  	[smem:$0x3FAC] =	sst s7  }
0x10: {  	[smem:$0x3FAD] =	sst s8  }
0x11: {  	[smem:$0x3FAE] =	sst s9;
	s0 =	simm.s32 @!p0 $0x0  }
0x12: {  	s1 =	sld [smem:$0x3F94];
	s0 =	simm.s32 @p0 $0x1  }
0x13: {  	[smem:$0x3FAF] =	sst s0;
	s0 =	simm.s32 @!p1 $0x0  }
0x14: {  	s2 =	sld [smem:$0x3F93];
	s0 =	simm.s32 @p1 $0x1  }
0x15: {  	[smem:$0x3FB0] =	sst s0;
	s0 =	simm.s32 @!p2 $0x0  }
0x16: {  	s3 =	sld [smem:$0x3FDB];
	s0 =	simm.s32 @p2 $0x1  }
0x17: {  	s4 =	simm.s32 $0x1BF5;
	[smem:$0x3FB2] =	sst s0  }
0x18: {  	s0 =	sld [smem:$0x3F95];
	_ =	swait.ge [sflag:s4], $0x0  }
0x19: {  	s7 =	sld [smem:$0x3F96]  }
0x1a: {  	s8 =	sadd.s32 $0xFFFFE003, lr  }
0x1b: {  	s9 =	sadd.s32 $0xFFFFFEF7, lr;
	s5 =	simm.s32 $0xFFFFFFFF;
	p2 =	slt.u32 s8, $0xFFFFF086  }
0x1c: {  	p1 =	slt.u32 s9, $0xF7A;
	s5 =	simm.s32 @!p2 $0x0  }
0x1d: {  	s5 =	simm.s32 @p1 $0x1;
	p0 =	seq.s32 s7, s2  }
0x1e: {  	s7 =	smul.u32 @!p0 $0xF7A, s2;
	p2 =	seq.s32 @!p0 s5, $0x0  }
0x1f: {  	s9 =	smul.u32 $0xF7A, s1;
	s8 =	simm.s32 @!p0 $0x1BF5;
	p2 =	por !p2, p0  }
0x20: {  	[sflag:s8] =	ssyncset.s32 @!p0 $0xFFFFF086;
	s6 =	sadd.s32 @!p0 s3, s7;
	s7 =	simm.s32 @!p0 $0x108  }
0x21: {  	s3 =	sadd.s32 s3, s9;
	s6 =	sadd.s32 @!p0 $0x88, s6;
	s7 =	simm.s32 @p2 $0x1082  }
0x22: {  	[simem:s7], [sflag:s8] =	dma.local @!p0 [hbm:s6], $0xF7A  }
0x23: {  	s9 =	sor.u32 $0xD0000000, s2;
	s6 =	simm.s32 $0x108;
	_ =	swait.ge @!p0 [sflag:s8], $0x0  }
0x24: {  	s3 =	sadd.s32 $0x88, s3;
	s6 =	simm.s32 @!p1 $0x1082;
	[sflag:s4] =	ssyncset.s32 $0xFFFFF086  }
0x25: {  	[simem:s6], [sflag:s4] =	dma.local [hbm:s3], $0xF7A  }
0x26: {  	[smem:$0x3F96] =	sst s1;
	(tag) =	ssettag s2;
	_ =	strace s9  }
0x27: {  	s1 =	sld [smem:$0x3FA6]  }
0x28: {  	s2 =	sld [smem:$0x3FA7]  }
0x29: {  	s4 =	sld [smem:$0x3FA9]  }
0x2a: {  	p0 =	seq.s32 s5, $0x0;
	s5 =	sld [smem:$0x3FAA]  }
0x2b: {  	s6 =	sld [smem:$0x3FAB]  }
0x2c: {  	s7 =	sld [smem:$0x3FAC]  }
0x2d: {  	s3 =	simm.s32 $0x108;
	s8 =	sld [smem:$0x3FAD]  }
0x2e: {  	s3 =	simm.s32 @!p0 $0x1082;
	s9 =	sld [smem:$0x3FAE]  }
0x2f: {  	lr =	sadd.s32 s0, s3;
	s0 =	sld [smem:$0x3FA5]  }
0x30: {  	s3 =	sld [smem:$0x3FA8]  }
0x31: {  	[smem:$0x3FB1] =	sst s10  }
0x32: {  	s10 =	sld [smem:$0x3FAF];
	_ =	sdelay $0x3  }
0x33: {  	p0 =	seq.s32 s10, $0x1;
	s10 =	sld [smem:$0x3FB1];
	_ =	sdelay $0x3  }
0x34: {  	[smem:$0x3FB1] =	sst s10  }
0x35: {  	s10 =	sld [smem:$0x3FB0];
	_ =	sdelay $0x3  }
0x36: {  	p1 =	seq.s32 s10, $0x1;
	s10 =	sld [smem:$0x3FB1];
	_ =	sdelay $0x3  }
0x37: {  	[smem:$0x3FB1] =	sst s10  }
0x38: {  	s10 =	sld [smem:$0x3FB2]  }
0x39: {  	_ = 	snop;
	(pc) =	sbr.ind lr, $3  }
0x3a: {  	_ = 	snop  }
0x3b: {  	_ = 	snop  }
0x3c: {  	p2 =	seq.s32 s10, $0x1;
	s10 =	sld [smem:$0x3FB1]  }
0x3d: {  	_ =	shalt  }
0x3e: {  	_ =	shalt  }
0x3f: {  	_ =	shalt  }
0x40: {  	_ =	shalt  }
0x41: {  	_ =	shalt  }
0x42: {  	_ =	shalt  }
0x43: {  	_ =	shalt  }
0x44: {  	_ =	shalt  }
0x45: {  	_ =	shalt  }
0x46: {  	_ =	shalt  }
0x47: {  	_ =	shalt  }
0x48: {  	_ =	shalt  }
0x49: {  	_ =	shalt  }
0x4a: {  	_ =	shalt  }
0x4b: {  	_ =	shalt  }
0x4c: {  	_ =	shalt  }
0x4d: {  	_ =	shalt  }
0x4e: {  	_ =	shalt  }
0x4f: {  	_ =	shalt  }
0x50: {  	_ =	shalt  }
0x51: {  	_ =	shalt  }
0x52: {  	_ =	shalt  }
0x53: {  	_ =	shalt  }
0x54: {  	_ =	shalt  }
0x55: {  	_ =	shalt  }
0x56: {  	_ =	shalt  }
0x57: {  	_ =	shalt  }
0x58: {  	_ =	shalt  }
0x59: {  	_ =	shalt  }
0x5a: {  	_ =	shalt  }
0x5b: {  	_ =	shalt  }
0x5c: {  	_ =	shalt  }
0x5d: {  	_ =	shalt  }
0x5e: {  	_ =	shalt  }
0x5f: {  	_ =	shalt  }
0x60: {  	_ =	shalt  }
0x61: {  	_ =	shalt  }
0x62: {  	_ =	shalt  }
0x63: {  	_ =	shalt  }
0x64: {  	_ =	shalt  }
0x65: {  	_ =	shalt  }
0x66: {  	_ =	shalt  }
0x67: {  	_ =	shalt  }
0x68: {  	_ =	shalt  }
0x69: {  	_ =	shalt  }
0x6a: {  	_ =	shalt  }
0x6b: {  	_ =	shalt  }
0x6c: {  	_ =	shalt  }
0x6d: {  	_ =	shalt  }
0x6e: {  	_ =	shalt  }
0x6f: {  	_ =	shalt  }
0x70: {  	_ =	shalt  }
0x71: {  	_ =	shalt  }
0x72: {  	_ =	shalt  }
0x73: {  	_ =	shalt  }
0x74: {  	_ =	shalt  }
0x75: {  	_ =	shalt  }
0x76: {  	_ =	shalt  }
0x77: {  	_ =	shalt  }
0x78: {  	_ =	shalt  }
0x79: {  	_ =	shalt  }
0x7a: {  	_ =	shalt  }
0x7b: {  	_ =	shalt  }
0x7c: {  	_ =	shalt  }
0x7d: {  	_ =	shalt  }
0x7e: {  	_ =	shalt  }
0x7f: {  	_ =	shalt  }
0x80: {  	_ =	shalt  }
0x81: {  	_ =	shalt  }
0x82: {  	_ =	shalt  }
0x83: {  	_ =	shalt  }
0x84: {  	_ =	shalt  }
0x85: {  	_ =	shalt  }
0x86: {  	_ =	shalt  }
0x87: {  	_ =	shalt  }
.Lfunc_end0:
.L_simem_size_0:
called_computation.2_lowered:
.L_overlay_start_0:
0x88: {  	s2 =	sld [smem:$0x3FD9]  }
0x89: {  	s3 =	sld [smem:$0x3FFE];
	_ =	sdelay $0x1  }
0x8a: {  	s1 =	srdreg.scid  }
0x8b: {  	s0 =	sand.u32 $0x1, s1  }
0x8c: {  	s16 =	sshll.u32 s0, $0xA;
	s2 =	sadd.s32 s3, s2  }
0x8d: {  	s2 =	sadd.s32 s2, s16  }
0x8e: {  	[smem:$0x3FBD] =	sst s2  }
0x8f: {  	_ = 	snop  }
0x90: {  	(tm) =	ssettm $0x1  }
0x91: {  	s17 =	sld [smem:$0x3FFB];
	_ =	sdelay $0x3  }
0x92: {  	_ =	strace s17  }
0x93: {  	s2 =	sld [smem:$0x3FFC];
	_ =	sdelay $0x3  }
0x94: {  	_ =	strace s2  }
0x95: {  	s2 =	sld [smem:$0x3FFD];
	_ =	sdelay $0x3  }
0x96: {  	_ =	strace s2  }
0x97: {  	_ =	strace $0x8FFFFFFF  }
0x98: {  	s18 =	sld [smem:$0x3FDB];
	_ =	sdelay $0x1  }
0x99: {  	s19 =	simm.s32 $_scs_section_size  }
0x9a: {  	s4 =	simm.s32 $_size__tile_overlayer_lowered;
	s5 =	simm.s32 $_tile_overlayer_lowered  }
0x9b: {  	s22 =	simm.s32 $0x1BFF;
	s21 =	sshll.u32 s5, $0x1;
	s2 =	sadd.s32 s19, s18  }
0x9c: {  	s6 =	simm.s32 $0x0;
	s20 =	sshll.u32 s4, $0x1;
	s4 =	sadd.s32 s21, s2  }
0x9d: {  	[timem:s6], [sflag:s22] =	dma.local [hbm:s4], s20  }
0x9e: {  	_ =	swait.ge [sflag:s22], s20  }
0x9f: {  	s3 =	ssub.s32 $0x0, s20;
	[sflag:s22] =	ssyncset.done $0x0  }
0xa0: {  	[sflag:s22] =	ssyncadd.s32 s3;
	_ =	sdelay $0x1  }
0xa1: {  	s23 =	simm.s32 $0x1B8B  }
0xa2: {  	_ =	swait.ge [sflag:s23], $0x1  }
0xa3: {  	[sflag:s23] =	ssyncset.done $0x0  }
0xa4: {  	s25 =	simm.s32 $0x1B8E;
	s24 =	sld [smem:$0x3FFE];
	[sflag:s23] =	ssyncadd.s32 $0xFFFFFFFF  }
0xa5: {  	s26 =	simm.s32 $execute0_lowered;
	[smem:$0x3FD2] =	sst s25  }
0xa6: {  	s4 =	sshll.u32 s26, $0x1;
	_ =	strace $0x8000004C;
	[dreg:$0x1] =	wrdreg $0xFFFFFFFF  }
0xa7: {  	s28 =	simm.s32 $_size_execute0_lowered;
	s2 =	sadd.s32 s2, s4;
	[dreg:$0x0] =	wrdreg $0x0  }
0xa8: {  	s4 =	sshll.u32 s28, $0x1;
	[dreg:$0x2] =	wrdreg s2  }
0xa9: {  	[dreg:$0x3] =	wrdreg s4  }
0xaa: {  	[dreg:$0x4] =	wrdreg $0xC0  }
0xab: {  	_ =	task [dreg:s6], $0x5FFFF  }
0xac: {  	[dreg:$0x1] =	wrdreg $0xFFFFFFFF  }
0xad: {  	[dreg:$0x0] =	wrdreg $0x60  }
0xae: {  	[dreg:$0x2] =	wrdreg s24  }
0xaf: {  	[dreg:$0x3] =	wrdreg $0x41000  }
0xb0: {  	[dreg:$0x4] =	wrdreg $0x9  }
0xb1: {  	_ =	task.clear_ibuf [dreg:s6], $0x5FFFF;
	_ =	strace $0x9000004C  }
0xb2: {  	s29 =	simm.s32 $0x9;
	_ =	strace $0x8000004E  }
0xb3: {  	_ =	swait.ge [sflag:s29], $0x1  }
0xb4: {  	[sflag:s29] =	ssyncadd.s32 $0xFFFFFFFF  }
0xb5: {  	_ =	strace $0x9000004E  }
0xb6: {  	_ =	sfence  }
0xb7: {  	s30 =	sld [smem:$0x0];
	_ =	sdelay $0x2  }
0xb8: {  	s31 =	sshll.u32 s1, $0xD;
	s1 =	sshrl.u32 s1, $0x2  }
0xb9: {  	s3 =	sand.u32 $0x4000, s31;
	s1 =	sadd.s32 s1, s30  }
0xba: {  	s0 =	sor.u32 s3, s0;
	s1 =	sshll.u32 s1, $0x11  }
0xbb: {  	s0 =	sor.u32 s1, s0  }
0xbc: {  	s0 =	sadd.s32 $0x8F2B, s0  }
0xbd: {  	[sflag:s0] =	ssyncadd.remote.s32 $0x1  }
0xbe: {  	_ =	sfence.sel $0xFFFF  }
0xbf: {  	[dreg:$0x0] =	wrdreg $0xFFFFFFFF;
	(pc) =	sbr.abs _section_cstart, $3  }
0xc0: {  	[dreg:$0x1] =	wrdreg $0xFFFFFFFF  }
0xc1: {  	_ =	task.clear_ibuf [dreg:s6], $0x2FFFF;
	_ =	strace $0x9FFFFFFF  }
0xc2: {  	(tm) =	ssettm $0x7FFFFFFF  }
0xc3: {  	_ =	shalt  }
tec
execute0_lowered:
.L_overlay_start_1:
0x0: {  	(tag) =	ssettag $0x1  }
0x1: {  	s5 =	rddreg [dreg:$0x0];
	s0 =	srdreg.scid  }
0x2: {  	s2 =	rddreg [dreg:$0x1];
	s1 =	stileid.u32  }
0x3: {  	s3 =	simm.s32 $0x0;
	s13 =	simm.s32 $0x80;
	s8 =	smul.u32 $0x14000, s1  }
0x4: {  	s14 =	simm.s32 $0x100;
	s15 =	simm.s32 $0x1;
	s26 =	smul.u32 $0x50000, s1  }
0x5: {  	s6 =	sand.u32 $0x1, s0;
	s0 =	rddreg [dreg:$0x2];
	s30 =	smul.u32 $0x4F0, s1  }
0x6: {  	s16 =	simm.s32 $0x0;
	[smem:$0x7FF] =	sst s3;
	s7 =	smul.u32 $0x4F00, s6  }
0x7: {  	s4 =	sadd.s32 $0x2A00, s5;
	s31 =	sshll.u32 s1, $0x6;
	s9 =	smul.u32 $0x140000, s6  }
0x8: {  	_ =	strace $0x8000004D;
	s6 =	ssub.s32 $0x2, s6;
	s25 =	sshrl.u32 s8, $0x3  }
0x9: {  	s28 =	sshrl.u32 s6, $0x1;
	s29 =	sshrl.u32 s26, $0x2;
	s10 =	sadd.s32 s7, s5  }
0xa: {  	s8 =	sadd.s32 s8, s9;
	s7 =	sadd.s32 s25, s5;
	s11 =	ssub.s32 s6, s28  }
0xb: {  	s12 =	sadd.s32 s29, s2;
	s6 =	sor.u32 $0x1C02, s31;
	s8 =	sshrl.u32 s8, $0x3  }
0xc: {  	s10 =	sadd.s32 s30, s10;
	s8 =	sadd.s32 s8, s5;
	s5 =	sadd.s32 $0x3D800, s7  }
0xd: {  	s9 =	sadd.s32 $0x33A00, s10;
	s10 =	sadd.s32 $0x29C00, s10;
	s7 =	sadd.s32 $0x65800, s8  }
0xe: {  	s8 =	smax.u32 s11, $0x1;
	s11 =	sshrl.u32 s12, $0x3;
	s12 =	simm.s32 $0x2  }
.LBB2_1:
0xf: {  	[spmem:s11], [sflag:s6] =	dma.local [hbm:s5], $0x2800  }
0x10: {  	_ =	swait.ge [sflag:s12], $0x2800  }
0x11: {  	[sflag:s12] =	ssyncset.done $0x0  }
0x12: {  	[sflag:s12] =	ssyncadd.s32 $0xFFFFD800  }
0x13: {  	s17 =	sadd.s32 $0x0, s10;
	[bflag:$0x0] =	sbarrier.arrive $0xFFFF  }
0x14: {  	[tilespmem:s3], [sflag:$0x2] =	stream.linear.gather [hbm4b:s17+s3], $0x80, $0x38;
	[tilespmem:$0x18100] =	vst v63  }
0x15: {  	_ =	swait.ge [sflag:s12], $0x80  }
0x16: {  	[sflag:s12] =	ssyncset.done $0x0  }
0x17: {  	s31 =	sadd.s32 $0x0, s9;
	[sflag:s12] =	ssyncadd.s32 $0xFFFFFF80  }
0x18: {  	[tilespmem:s13], [sflag:$0x2] =	stream.linear.gather [hbm4b:s31+s3], $0x80, $0x38;
	[tilespmem:$0x18100] =	vst v63  }
0x19: {  	_ =	swait.ge [sflag:s12], $0x80  }
0x1a: {  	[sflag:s12] =	ssyncset.done $0x0  }
0x1b: {  	[sflag:s12] =	ssyncadd.s32 $0xFFFFFF80  }
0x1c: {  	[tilespmem:s14], [sflag:$0x1] =	stream.indirect.gather [hbm4b:s4+s13], $0x80, s3, s13, $0xb8;
	[tilespmem:$0x18100] =	vst v63  }
0x1d: {  	_ =	swait.ge [sflag:s15], $0x4000  }
0x1e: {  	[sflag:s15] =	ssyncset.done $0x0  }
0x1f: {  	[sflag:s15] =	ssyncadd.s32 $0xFFFFC000  }
0x20: {  	[spmem:s2] =	stream.indirect.scatter.add.f32 [tilespmem:s14], [sflag:$0x2], $0x80, s13, s13, $0xb8;
	[tilespmem:$0x18100] =	vst v63  }
0x21: {  	_ =	swait.ge [sflag:s12], $0x4000  }
0x22: {  	s18 =	simm.s32 $0x20;
	s17 =	simm.s32 $0x10;
	[sflag:s12] =	ssyncset.done $0x0  }
.LBB2_2:
0x23: {  	s19 =	sadd.s32 s17, s10  }
0x24: {  	[sflag:s12] =	ssyncadd.s32 $0xFFFFC000;
	s20 =	smov.u32 s18;
	s21 =	sadd.s32 $0x10, s18  }
0x25: {  	[tilespmem:s3], [sflag:$0x2] =	stream.linear.gather [hbm4b:s19+s3], $0x80, $0x38;
	[tilespmem:$0x18100] =	vst v63  }
0x26: {  	p0 =	sne.s32 s18, $0x4E0;
	_ =	swait.ge [sflag:s12], $0x80  }
0x27: {  	[sflag:s12] =	ssyncset.done $0x0  }
0x28: {  	s18 =	sadd.s32 s17, s9;
	s17 =	smov.u32 s20;
	[sflag:s12] =	ssyncadd.s32 $0xFFFFFF80  }
0x29: {  	[tilespmem:s13], [sflag:$0x2] =	stream.linear.gather [hbm4b:s18+s3], $0x80, $0x38;
	[tilespmem:$0x18100] =	vst v63  }
0x2a: {  	_ =	swait.ge [sflag:s12], $0x80  }
0x2b: {  	[sflag:s12] =	ssyncset.done $0x0  }
0x2c: {  	[sflag:s12] =	ssyncadd.s32 $0xFFFFFF80  }
0x2d: {  	[tilespmem:s14], [sflag:$0x1] =	stream.indirect.gather [hbm4b:s4+s13], $0x80, s3, s13, $0xb8;
	[tilespmem:$0x18100] =	vst v63  }
0x2e: {  	_ =	swait.ge [sflag:s15], $0x4000  }
.Ltmp0:
0x2f: {  	[sflag:s15] =	ssyncset.done $0x0;
	(pc) =	sbr.rel @p0 .LBB2_2-.Ltmp0, $4  }
0x30: {  	[sflag:s15] =	ssyncadd.s32 $0xFFFFC000  }
0x31: {  	[spmem:s2] =	stream.indirect.scatter.add.f32 [tilespmem:s14], [sflag:$0x2], $0x80, s13, s13, $0xb8;
	[tilespmem:$0x18100] =	vst v63  }
0x32: {  	_ =	swait.ge [sflag:s12], $0x4000  }
0x33: {  	s18 =	smov.u32 s21;
	[sflag:s12] =	ssyncset.done $0x0  }
0x34: {  	s18 =	sadd.s32 s17, s10;
	[sflag:s12] =	ssyncadd.s32 $0xFFFFC000  }
0x35: {  	[tilespmem:s3], [sflag:$0x2] =	stream.linear.gather [hbm4b:s18+s3], $0x80, $0x38;
	[tilespmem:$0x18100] =	vst v63  }
0x36: {  	_ =	swait.ge [sflag:s12], $0x80  }
0x37: {  	[sflag:s12] =	ssyncset.done $0x0  }
0x38: {  	s31 =	sadd.s32 s17, s9;
	[sflag:s12] =	ssyncadd.s32 $0xFFFFFF80  }
0x39: {  	[tilespmem:s13], [sflag:$0x2] =	stream.linear.gather [hbm4b:s31+s3], $0x80, $0x38;
	[tilespmem:$0x18100] =	vst v63  }
0x3a: {  	_ =	swait.ge [sflag:s12], $0x80  }
0x3b: {  	[sflag:s12] =	ssyncset.done $0x0  }
0x3c: {  	[sflag:s12] =	ssyncadd.s32 $0xFFFFFF80  }
0x3d: {  	[tilespmem:s14], [sflag:$0x1] =	stream.indirect.gather [hbm4b:s4+s13], $0x80, s3, s13, $0xb8;
	[tilespmem:$0x18100] =	vst v63  }
0x3e: {  	_ =	swait.ge [sflag:s15], $0x4000  }
0x3f: {  	[sflag:s15] =	ssyncset.done $0x0  }
0x40: {  	[sflag:s15] =	ssyncadd.s32 $0xFFFFC000  }
0x41: {  	[spmem:s2] =	stream.indirect.scatter.add.f32 [tilespmem:s14], [sflag:$0x2], $0x80, s13, s13, $0xb8;
	[tilespmem:$0x18100] =	vst v63  }
0x42: {  	_ =	swait.ge [sflag:s12], $0x4000  }
0x43: {  	s16 =	sadd.s32 $0x1, s16;
	[sflag:s12] =	ssyncset.done $0x0  }
0x44: {  	p0 =	sne.s32 s16, s8;
	[sflag:s12] =	ssyncadd.s32 $0xFFFFC000  }
.Ltmp1:
0x45: {  	[bflag:$0x0] =	sbarrier.arrive $0xFFFF;
	(pc) =	sbr.rel @p0 .LBB2_1-.Ltmp1, $4  }
0x46: {  	[hbm:s7], [sflag:s6] =	dma.local [spmem:s11], $0x2800  }
0x47: {  	_ =	swait.ge [sflag:s12], $0x2800  }
0x48: {  	[sflag:s12] =	ssyncset.done $0x0  }
0x49: {  	[sflag:s12] =	ssyncadd.s32 $0xFFFFD800  }
0x4a: {  	_ =	sfence.sel $0x180000  }
0x4b: {  	[bflag:$0x0] =	sbarrier.arrive $0xFFFF  }
0x4c: {  	p0 =	sne.s32 s1, $0x0;
	_ =	strace $0x9000004D  }
0x4d: {  	s0 =	sadd.s32 @!p0 $0x100000, s0;
	[bflag:$0x2] =	sbarrier.arrive $0xFFFF  }
0x4e: {  	[sflag:s0] =	ssyncadd.tile.s32 @!p0 $0x1;
	_ =	shalt  }
.Lfunc_end2:
_tile_overlayer_lowered:
.L_overlay_start_2:
0x4f: {  	(tag) =	ssettag $0x2  }
0x50: {  	s0 =	rddreg [dreg:$0x0];
	s2 =	stileid.u32  }
0x51: {  	s1 =	rddreg [dreg:$0x1];
	p0 =	sne.s32 s2, $0x0  }
0x52: {  	s3 =	rddreg [dreg:$0x2];
	[bflag:$0x3] =	sbarrier.arrive $0xFFFF;
	s2 =	simm.s32 @!p0 $0x1C02  }
0x53: {  	[timem:s3], [sflag:s2] =	dma.local @!p0 [hbm:s0], s1  }
0x54: {  	s0 =	simm.s32 @!p0 $0x2  }
0x55: {  	_ =	swait.ge @!p0 [sflag:s0], s1  }
0x56: {  	s1 =	ssub.s32 @!p0 $0x0, s1;
	[sflag:s0] =	ssyncset.done @!p0 $0x0  }
0x57: {  	[sflag:s0] =	ssyncadd.s32 @!p0 s1  }
0x58: {  	[bflag:$0x3] =	sbarrier.arrive $0xFFFF  }
0x59: {  	_ =	shalt  }

// kernel: kernel.19.cloned.1.call-start
scs
__scs_entry_jumppad:
0x0: {  	(pc) =	sbr.rel $0x88, $3  }
0x1: {  	(tag) =	ssettag $0x0;
	lr =	simm.s32 $0x1  }
0x2: {  	[smem:$0x3F96] =	sst lr;
	_ =	strace $0xD0000000  }
0x3: {  	_ = 	snop  }
0x4: {  	_ = 	snop  }
0x5: {  	_ = 	snop  }
0x6: {  	_ = 	snop  }
0x7: {  	_ = 	snop  }
__scs_overlays_trampoline_lowered:
0x8: {  	[smem:$0x3FA5] =	sst s0  }
0x9: {  	[smem:$0x3FA6] =	sst s1  }
0xa: {  	[smem:$0x3FA7] =	sst s2  }
0xb: {  	[smem:$0x3FA8] =	sst s3  }
0xc: {  	[smem:$0x3FA9] =	sst s4  }
0xd: {  	[smem:$0x3FAA] =	sst s5  }
0xe: {  	[smem:$0x3FAB] =	sst s6  }
0xf: {  	[smem:$0x3FAC] =	sst s7  }
0x10: {  	[smem:$0x3FAD] =	sst s8  }
0x11: {  	[smem:$0x3FAE] =	sst s9;
	s0 =	simm.s32 @!p0 $0x0  }
0x12: {  	s1 =	sld [smem:$0x3F94];
	s0 =	simm.s32 @p0 $0x1  }
0x13: {  	[smem:$0x3FAF] =	sst s0;
	s0 =	simm.s32 @!p1 $0x0  }
0x14: {  	s2 =	sld [smem:$0x3F93];
	s0 =	simm.s32 @p1 $0x1  }
0x15: {  	[smem:$0x3FB0] =	sst s0;
	s0 =	simm.s32 @!p2 $0x0  }
0x16: {  	s3 =	sld [smem:$0x3FDB];
	s0 =	simm.s32 @p2 $0x1  }
0x17: {  	s4 =	simm.s32 $0x1BF5;
	[smem:$0x3FB2] =	sst s0  }
0x18: {  	s0 =	sld [smem:$0x3F95];
	_ =	swait.ge [sflag:s4], $0x0  }
0x19: {  	s7 =	sld [smem:$0x3F96]  }
0x1a: {  	s8 =	sadd.s32 $0xFFFFE003, lr  }
0x1b: {  	s9 =	sadd.s32 $0xFFFFFEF7, lr;
	s5 =	simm.s32 $0xFFFFFFFF;
	p2 =	slt.u32 s8, $0xFFFFF086  }
0x1c: {  	p1 =	slt.u32 s9, $0xF7A;
	s5 =	simm.s32 @!p2 $0x0  }
0x1d: {  	s5 =	simm.s32 @p1 $0x1;
	p0 =	seq.s32 s7, s2  }
0x1e: {  	s7 =	smul.u32 @!p0 $0xF7A, s2;
	p2 =	seq.s32 @!p0 s5, $0x0  }
0x1f: {  	s9 =	smul.u32 $0xF7A, s1;
	s8 =	simm.s32 @!p0 $0x1BF5;
	p2 =	por !p2, p0  }
0x20: {  	[sflag:s8] =	ssyncset.s32 @!p0 $0xFFFFF086;
	s6 =	sadd.s32 @!p0 s3, s7;
	s7 =	simm.s32 @!p0 $0x108  }
0x21: {  	s3 =	sadd.s32 s3, s9;
	s6 =	sadd.s32 @!p0 $0x88, s6;
	s7 =	simm.s32 @p2 $0x1082  }
0x22: {  	[simem:s7], [sflag:s8] =	dma.local @!p0 [hbm:s6], $0xF7A  }
0x23: {  	s9 =	sor.u32 $0xD0000000, s2;
	s6 =	simm.s32 $0x108;
	_ =	swait.ge @!p0 [sflag:s8], $0x0  }
0x24: {  	s3 =	sadd.s32 $0x88, s3;
	s6 =	simm.s32 @!p1 $0x1082;
	[sflag:s4] =	ssyncset.s32 $0xFFFFF086  }
0x25: {  	[simem:s6], [sflag:s4] =	dma.local [hbm:s3], $0xF7A  }
0x26: {  	[smem:$0x3F96] =	sst s1;
	(tag) =	ssettag s2;
	_ =	strace s9  }
0x27: {  	s1 =	sld [smem:$0x3FA6]  }
0x28: {  	s2 =	sld [smem:$0x3FA7]  }
0x29: {  	s4 =	sld [smem:$0x3FA9]  }
0x2a: {  	p0 =	seq.s32 s5, $0x0;
	s5 =	sld [smem:$0x3FAA]  }
0x2b: {  	s6 =	sld [smem:$0x3FAB]  }
0x2c: {  	s7 =	sld [smem:$0x3FAC]  }
0x2d: {  	s3 =	simm.s32 $0x108;
	s8 =	sld [smem:$0x3FAD]  }
0x2e: {  	s3 =	simm.s32 @!p0 $0x1082;
	s9 =	sld [smem:$0x3FAE]  }
0x2f: {  	lr =	sadd.s32 s0, s3;
	s0 =	sld [smem:$0x3FA5]  }
0x30: {  	s3 =	sld [smem:$0x3FA8]  }
0x31: {  	[smem:$0x3FB1] =	sst s10  }
0x32: {  	s10 =	sld [smem:$0x3FAF];
	_ =	sdelay $0x3  }
0x33: {  	p0 =	seq.s32 s10, $0x1;
	s10 =	sld [smem:$0x3FB1];
	_ =	sdelay $0x3  }
0x34: {  	[smem:$0x3FB1] =	sst s10  }
0x35: {  	s10 =	sld [smem:$0x3FB0];
	_ =	sdelay $0x3  }
0x36: {  	p1 =	seq.s32 s10, $0x1;
	s10 =	sld [smem:$0x3FB1];
	_ =	sdelay $0x3  }
0x37: {  	[smem:$0x3FB1] =	sst s10  }
0x38: {  	s10 =	sld [smem:$0x3FB2]  }
0x39: {  	_ = 	snop;
	(pc) =	sbr.ind lr, $3  }
0x3a: {  	_ = 	snop  }
0x3b: {  	_ = 	snop  }
0x3c: {  	p2 =	seq.s32 s10, $0x1;
	s10 =	sld [smem:$0x3FB1]  }
0x3d: {  	_ =	shalt  }
0x3e: {  	_ =	shalt  }
0x3f: {  	_ =	shalt  }
0x40: {  	_ =	shalt  }
0x41: {  	_ =	shalt  }
0x42: {  	_ =	shalt  }
0x43: {  	_ =	shalt  }
0x44: {  	_ =	shalt  }
0x45: {  	_ =	shalt  }
0x46: {  	_ =	shalt  }
0x47: {  	_ =	shalt  }
0x48: {  	_ =	shalt  }
0x49: {  	_ =	shalt  }
0x4a: {  	_ =	shalt  }
0x4b: {  	_ =	shalt  }
0x4c: {  	_ =	shalt  }
0x4d: {  	_ =	shalt  }
0x4e: {  	_ =	shalt  }
0x4f: {  	_ =	shalt  }
0x50: {  	_ =	shalt  }
0x51: {  	_ =	shalt  }
0x52: {  	_ =	shalt  }
0x53: {  	_ =	shalt  }
0x54: {  	_ =	shalt  }
0x55: {  	_ =	shalt  }
0x56: {  	_ =	shalt  }
0x57: {  	_ =	shalt  }
0x58: {  	_ =	shalt  }
0x59: {  	_ =	shalt  }
0x5a: {  	_ =	shalt  }
0x5b: {  	_ =	shalt  }
0x5c: {  	_ =	shalt  }
0x5d: {  	_ =	shalt  }
0x5e: {  	_ =	shalt  }
0x5f: {  	_ =	shalt  }
0x60: {  	_ =	shalt  }
0x61: {  	_ =	shalt  }
0x62: {  	_ =	shalt  }
0x63: {  	_ =	shalt  }
0x64: {  	_ =	shalt  }
0x65: {  	_ =	shalt  }
0x66: {  	_ =	shalt  }
0x67: {  	_ =	shalt  }
0x68: {  	_ =	shalt  }
0x69: {  	_ =	shalt  }
0x6a: {  	_ =	shalt  }
0x6b: {  	_ =	shalt  }
0x6c: {  	_ =	shalt  }
0x6d: {  	_ =	shalt  }
0x6e: {  	_ =	shalt  }
0x6f: {  	_ =	shalt  }
0x70: {  	_ =	shalt  }
0x71: {  	_ =	shalt  }
0x72: {  	_ =	shalt  }
0x73: {  	_ =	shalt  }
0x74: {  	_ =	shalt  }
0x75: {  	_ =	shalt  }
0x76: {  	_ =	shalt  }
0x77: {  	_ =	shalt  }
0x78: {  	_ =	shalt  }
0x79: {  	_ =	shalt  }
0x7a: {  	_ =	shalt  }
0x7b: {  	_ =	shalt  }
0x7c: {  	_ =	shalt  }
0x7d: {  	_ =	shalt  }
0x7e: {  	_ =	shalt  }
0x7f: {  	_ =	shalt  }
0x80: {  	_ =	shalt  }
0x81: {  	_ =	shalt  }
0x82: {  	_ =	shalt  }
0x83: {  	_ =	shalt  }
0x84: {  	_ =	shalt  }
0x85: {  	_ =	shalt  }
0x86: {  	_ =	shalt  }
0x87: {  	_ =	shalt  }
.Lfunc_end0:
.L_simem_size_0:
called_computation.3_lowered:
.L_overlay_start_0:
0x88: {  	s2 =	sld [smem:$0x3FD9]  }
0x89: {  	s3 =	sld [smem:$0x3FFE];
	_ =	sdelay $0x1  }
0x8a: {  	s1 =	srdreg.scid  }
0x8b: {  	s0 =	sand.u32 $0x1, s1  }
0x8c: {  	s16 =	sshll.u32 s0, $0xA;
	s2 =	sadd.s32 s3, s2  }
0x8d: {  	s2 =	sadd.s32 s2, s16  }
0x8e: {  	[smem:$0x3FBD] =	sst s2  }
0x8f: {  	_ = 	snop  }
0x90: {  	(tm) =	ssettm $0x1  }
0x91: {  	s17 =	sld [smem:$0x3FFB];
	_ =	sdelay $0x3  }
0x92: {  	_ =	strace s17  }
0x93: {  	s2 =	sld [smem:$0x3FFC];
	_ =	sdelay $0x3  }
0x94: {  	_ =	strace s2  }
0x95: {  	s2 =	sld [smem:$0x3FFD];
	_ =	sdelay $0x3  }
0x96: {  	_ =	strace s2  }
0x97: {  	_ =	strace $0x8FFFFFFF  }
0x98: {  	s18 =	sld [smem:$0x3FDB];
	_ =	sdelay $0x1  }
0x99: {  	s19 =	simm.s32 $_scs_section_size  }
0x9a: {  	s4 =	simm.s32 $_size__tile_overlayer_lowered;
	s5 =	simm.s32 $_tile_overlayer_lowered  }
0x9b: {  	s22 =	simm.s32 $0x1BFF;
	s21 =	sshll.u32 s5, $0x1;
	s2 =	sadd.s32 s19, s18  }
0x9c: {  	s6 =	simm.s32 $0x0;
	s20 =	sshll.u32 s4, $0x1;
	s4 =	sadd.s32 s21, s2  }
0x9d: {  	[timem:s6], [sflag:s22] =	dma.local [hbm:s4], s20  }
0x9e: {  	_ =	swait.ge [sflag:s22], s20  }
0x9f: {  	s3 =	ssub.s32 $0x0, s20;
	[sflag:s22] =	ssyncset.done $0x0  }
0xa0: {  	[sflag:s22] =	ssyncadd.s32 s3;
	_ =	sdelay $0x1  }
0xa1: {  	s23 =	simm.s32 $0x1B8B  }
0xa2: {  	_ =	swait.ge [sflag:s23], $0x1  }
0xa3: {  	[sflag:s23] =	ssyncset.done $0x0  }
0xa4: {  	s25 =	simm.s32 $0x1B8E;
	s24 =	sld [smem:$0x3FFE];
	[sflag:s23] =	ssyncadd.s32 $0xFFFFFFFF  }
0xa5: {  	s26 =	simm.s32 $execute0_lowered;
	[smem:$0x3FD2] =	sst s25  }
0xa6: {  	s4 =	sshll.u32 s26, $0x1;
	_ =	strace $0x8000004F;
	[dreg:$0x1] =	wrdreg $0xFFFFFFFF  }
0xa7: {  	s28 =	simm.s32 $_size_execute0_lowered;
	s2 =	sadd.s32 s2, s4;
	[dreg:$0x0] =	wrdreg $0x0  }
0xa8: {  	s4 =	sshll.u32 s28, $0x1;
	[dreg:$0x2] =	wrdreg s2  }
0xa9: {  	[dreg:$0x3] =	wrdreg s4  }
0xaa: {  	[dreg:$0x4] =	wrdreg $0xC0  }
0xab: {  	_ =	task [dreg:s6], $0x5FFFF  }
0xac: {  	[dreg:$0x1] =	wrdreg $0xFFFFFFFF  }
0xad: {  	[dreg:$0x0] =	wrdreg $0x60  }
0xae: {  	[dreg:$0x2] =	wrdreg s24  }
0xaf: {  	[dreg:$0x3] =	wrdreg $0x41000  }
0xb0: {  	[dreg:$0x4] =	wrdreg $0x9  }
0xb1: {  	_ =	task.clear_ibuf [dreg:s6], $0x5FFFF;
	_ =	strace $0x9000004F  }
0xb2: {  	s29 =	simm.s32 $0x9;
	_ =	strace $0x80000051  }
0xb3: {  	_ =	swait.ge [sflag:s29], $0x1  }
0xb4: {  	[sflag:s29] =	ssyncadd.s32 $0xFFFFFFFF  }
0xb5: {  	_ =	strace $0x90000051  }
0xb6: {  	_ =	sfence  }
0xb7: {  	s30 =	sld [smem:$0x0];
	_ =	sdelay $0x2  }
0xb8: {  	s31 =	sshll.u32 s1, $0xD;
	s1 =	sshrl.u32 s1, $0x2  }
0xb9: {  	s3 =	sand.u32 $0x4000, s31;
	s1 =	sadd.s32 s1, s30  }
0xba: {  	s0 =	sor.u32 s3, s0;
	s1 =	sshll.u32 s1, $0x11  }
0xbb: {  	s0 =	sor.u32 s1, s0  }
0xbc: {  	s0 =	sadd.s32 $0x8F2B, s0  }
0xbd: {  	[sflag:s0] =	ssyncadd.remote.s32 $0x1  }
0xbe: {  	_ =	sfence.sel $0xFFFF  }
0xbf: {  	[dreg:$0x0] =	wrdreg $0xFFFFFFFF;
	(pc) =	sbr.abs _section_cstart, $3  }
0xc0: {  	[dreg:$0x1] =	wrdreg $0xFFFFFFFF  }
0xc1: {  	_ =	task.clear_ibuf [dreg:s6], $0x2FFFF;
	_ =	strace $0x9FFFFFFF  }
0xc2: {  	(tm) =	ssettm $0x7FFFFFFF  }
0xc3: {  	_ =	shalt  }
tec
execute0_lowered:
.L_overlay_start_1:
0x0: {  	(tag) =	ssettag $0x1  }
0x1: {  	s5 =	rddreg [dreg:$0x0];
	s0 =	srdreg.scid  }
0x2: {  	s2 =	rddreg [dreg:$0x1];
	s1 =	stileid.u32  }
0x3: {  	s3 =	simm.s32 $0x0;
	s13 =	simm.s32 $0x80;
	s8 =	smul.u32 $0x14000, s1  }
0x4: {  	s14 =	simm.s32 $0x100;
	s15 =	simm.s32 $0x1;
	s26 =	smul.u32 $0x50000, s1  }
0x5: {  	s6 =	sand.u32 $0x1, s0;
	s0 =	rddreg [dreg:$0x2];
	s30 =	smul.u32 $0x4F0, s1  }
0x6: {  	s16 =	simm.s32 $0x0;
	[smem:$0x7FF] =	sst s3;
	s7 =	smul.u32 $0x4F00, s6  }
0x7: {  	s4 =	sadd.s32 $0x2A00, s5;
	s31 =	sshll.u32 s1, $0x6;
	s9 =	smul.u32 $0x140000, s6  }
0x8: {  	_ =	strace $0x80000050;
	s6 =	ssub.s32 $0x2, s6;
	s25 =	sshrl.u32 s8, $0x3  }
0x9: {  	s28 =	sshrl.u32 s6, $0x1;
	s29 =	sshrl.u32 s26, $0x2;
	s10 =	sadd.s32 s7, s5  }
0xa: {  	s8 =	sadd.s32 s8, s9;
	s7 =	sadd.s32 s25, s5;
	s11 =	ssub.s32 s6, s28  }
0xb: {  	s12 =	sadd.s32 s29, s2;
	s6 =	sor.u32 $0x1C02, s31;
	s8 =	sshrl.u32 s8, $0x3  }
0xc: {  	s10 =	sadd.s32 s30, s10;
	s8 =	sadd.s32 s8, s5;
	s5 =	sadd.s32 $0x3D800, s7  }
0xd: {  	s9 =	sadd.s32 $0x33A00, s10;
	s10 =	sadd.s32 $0x29C00, s10;
	s7 =	sadd.s32 $0x65800, s8  }
0xe: {  	s8 =	smax.u32 s11, $0x1;
	s11 =	sshrl.u32 s12, $0x3;
	s12 =	simm.s32 $0x2  }
.LBB2_1:
0xf: {  	[spmem:s11], [sflag:s6] =	dma.local [hbm:s5], $0x2800  }
0x10: {  	_ =	swait.ge [sflag:s12], $0x2800  }
0x11: {  	[sflag:s12] =	ssyncset.done $0x0  }
0x12: {  	[sflag:s12] =	ssyncadd.s32 $0xFFFFD800  }
0x13: {  	s17 =	sadd.s32 $0x0, s10;
	[bflag:$0x0] =	sbarrier.arrive $0xFFFF  }
0x14: {  	[tilespmem:s3], [sflag:$0x2] =	stream.linear.gather [hbm4b:s17+s3], $0x80, $0x38;
	[tilespmem:$0x18100] =	vst v63  }
0x15: {  	_ =	swait.ge [sflag:s12], $0x80  }
0x16: {  	[sflag:s12] =	ssyncset.done $0x0  }
0x17: {  	s31 =	sadd.s32 $0x0, s9;
	[sflag:s12] =	ssyncadd.s32 $0xFFFFFF80  }
0x18: {  	[tilespmem:s13], [sflag:$0x2] =	stream.linear.gather [hbm4b:s31+s3], $0x80, $0x38;
	[tilespmem:$0x18100] =	vst v63  }
0x19: {  	_ =	swait.ge [sflag:s12], $0x80  }
0x1a: {  	[sflag:s12] =	ssyncset.done $0x0  }
0x1b: {  	[sflag:s12] =	ssyncadd.s32 $0xFFFFFF80  }
0x1c: {  	[tilespmem:s14], [sflag:$0x1] =	stream.indirect.gather [hbm4b:s4+s13], $0x80, s3, s13, $0xb8;
	[tilespmem:$0x18100] =	vst v63  }
0x1d: {  	_ =	swait.ge [sflag:s15], $0x4000  }
0x1e: {  	[sflag:s15] =	ssyncset.done $0x0  }
0x1f: {  	[sflag:s15] =	ssyncadd.s32 $0xFFFFC000  }
0x20: {  	[spmem:s2] =	stream.indirect.scatter.add.f32 [tilespmem:s14], [sflag:$0x2], $0x80, s13, s13, $0xb8;
	[tilespmem:$0x18100] =	vst v63  }
0x21: {  	_ =	swait.ge [sflag:s12], $0x4000  }
0x22: {  	s18 =	simm.s32 $0x20;
	s17 =	simm.s32 $0x10;
	[sflag:s12] =	ssyncset.done $0x0  }
.LBB2_2:
0x23: {  	s19 =	sadd.s32 s17, s10  }
0x24: {  	[sflag:s12] =	ssyncadd.s32 $0xFFFFC000;
	s20 =	smov.u32 s18;
	s21 =	sadd.s32 $0x10, s18  }
0x25: {  	[tilespmem:s3], [sflag:$0x2] =	stream.linear.gather [hbm4b:s19+s3], $0x80, $0x38;
	[tilespmem:$0x18100] =	vst v63  }
0x26: {  	p0 =	sne.s32 s18, $0x4E0;
	_ =	swait.ge [sflag:s12], $0x80  }
0x27: {  	[sflag:s12] =	ssyncset.done $0x0  }
0x28: {  	s18 =	sadd.s32 s17, s9;
	s17 =	smov.u32 s20;
	[sflag:s12] =	ssyncadd.s32 $0xFFFFFF80  }
0x29: {  	[tilespmem:s13], [sflag:$0x2] =	stream.linear.gather [hbm4b:s18+s3], $0x80, $0x38;
	[tilespmem:$0x18100] =	vst v63  }
0x2a: {  	_ =	swait.ge [sflag:s12], $0x80  }
0x2b: {  	[sflag:s12] =	ssyncset.done $0x0  }
0x2c: {  	[sflag:s12] =	ssyncadd.s32 $0xFFFFFF80  }
0x2d: {  	[tilespmem:s14], [sflag:$0x1] =	stream.indirect.gather [hbm4b:s4+s13], $0x80, s3, s13, $0xb8;
	[tilespmem:$0x18100] =	vst v63  }
0x2e: {  	_ =	swait.ge [sflag:s15], $0x4000  }
.Ltmp0:
0x2f: {  	[sflag:s15] =	ssyncset.done $0x0;
	(pc) =	sbr.rel @p0 .LBB2_2-.Ltmp0, $4  }
0x30: {  	[sflag:s15] =	ssyncadd.s32 $0xFFFFC000  }
0x31: {  	[spmem:s2] =	stream.indirect.scatter.add.f32 [tilespmem:s14], [sflag:$0x2], $0x80, s13, s13, $0xb8;
	[tilespmem:$0x18100] =	vst v63  }
0x32: {  	_ =	swait.ge [sflag:s12], $0x4000  }
0x33: {  	s18 =	smov.u32 s21;
	[sflag:s12] =	ssyncset.done $0x0  }
0x34: {  	s18 =	sadd.s32 s17, s10;
	[sflag:s12] =	ssyncadd.s32 $0xFFFFC000  }
0x35: {  	[tilespmem:s3], [sflag:$0x2] =	stream.linear.gather [hbm4b:s18+s3], $0x80, $0x38;
	[tilespmem:$0x18100] =	vst v63  }
0x36: {  	_ =	swait.ge [sflag:s12], $0x80  }
0x37: {  	[sflag:s12] =	ssyncset.done $0x0  }
0x38: {  	s31 =	sadd.s32 s17, s9;
	[sflag:s12] =	ssyncadd.s32 $0xFFFFFF80  }
0x39: {  	[tilespmem:s13], [sflag:$0x2] =	stream.linear.gather [hbm4b:s31+s3], $0x80, $0x38;
	[tilespmem:$0x18100] =	vst v63  }
0x3a: {  	_ =	swait.ge [sflag:s12], $0x80  }
0x3b: {  	[sflag:s12] =	ssyncset.done $0x0  }
0x3c: {  	[sflag:s12] =	ssyncadd.s32 $0xFFFFFF80  }
0x3d: {  	[tilespmem:s14], [sflag:$0x1] =	stream.indirect.gather [hbm4b:s4+s13], $0x80, s3, s13, $0xb8;
	[tilespmem:$0x18100] =	vst v63  }
0x3e: {  	_ =	swait.ge [sflag:s15], $0x4000  }
0x3f: {  	[sflag:s15] =	ssyncset.done $0x0  }
0x40: {  	[sflag:s15] =	ssyncadd.s32 $0xFFFFC000  }
0x41: {  	[spmem:s2] =	stream.indirect.scatter.add.f32 [tilespmem:s14], [sflag:$0x2], $0x80, s13, s13, $0xb8;
	[tilespmem:$0x18100] =	vst v63  }
0x42: {  	_ =	swait.ge [sflag:s12], $0x4000  }
0x43: {  	s16 =	sadd.s32 $0x1, s16;
	[sflag:s12] =	ssyncset.done $0x0  }
0x44: {  	p0 =	sne.s32 s16, s8;
	[sflag:s12] =	ssyncadd.s32 $0xFFFFC000  }
.Ltmp1:
0x45: {  	[bflag:$0x0] =	sbarrier.arrive $0xFFFF;
	(pc) =	sbr.rel @p0 .LBB2_1-.Ltmp1, $4  }
0x46: {  	[hbm:s7], [sflag:s6] =	dma.local [spmem:s11], $0x2800  }
0x47: {  	_ =	swait.ge [sflag:s12], $0x2800  }
0x48: {  	[sflag:s12] =	ssyncset.done $0x0  }
0x49: {  	[sflag:s12] =	ssyncadd.s32 $0xFFFFD800  }
0x4a: {  	_ =	sfence.sel $0x180000  }
0x4b: {  	[bflag:$0x0] =	sbarrier.arrive $0xFFFF  }
0x4c: {  	p0 =	sne.s32 s1, $0x0;
	_ =	strace $0x90000050  }
0x4d: {  	s0 =	sadd.s32 @!p0 $0x100000, s0;
	[bflag:$0x2] =	sbarrier.arrive $0xFFFF  }
0x4e: {  	[sflag:s0] =	ssyncadd.tile.s32 @!p0 $0x1;
	_ =	shalt  }
.Lfunc_end2:
_tile_overlayer_lowered:
.L_overlay_start_2:
0x4f: {  	(tag) =	ssettag $0x2  }
0x50: {  	s0 =	rddreg [dreg:$0x0];
	s2 =	stileid.u32  }
0x51: {  	s1 =	rddreg [dreg:$0x1];
	p0 =	sne.s32 s2, $0x0  }
0x52: {  	s3 =	rddreg [dreg:$0x2];
	[bflag:$0x3] =	sbarrier.arrive $0xFFFF;
	s2 =	simm.s32 @!p0 $0x1C02  }
0x53: {  	[timem:s3], [sflag:s2] =	dma.local @!p0 [hbm:s0], s1  }
0x54: {  	s0 =	simm.s32 @!p0 $0x2  }
0x55: {  	_ =	swait.ge @!p0 [sflag:s0], s1  }
0x56: {  	s1 =	ssub.s32 @!p0 $0x0, s1;
	[sflag:s0] =	ssyncset.done @!p0 $0x0  }
0x57: {  	[sflag:s0] =	ssyncadd.s32 @!p0 s1  }
0x58: {  	[bflag:$0x3] =	sbarrier.arrive $0xFFFF  }
0x59: {  	_ =	shalt  }

</sc_bundles>
